<compile_context>
chip_gen: v7x
topology: tpu7x:2x2x1
jax: 0.10.2.dev20260603
libtpu: 0.0.44.dev20260713+nightly
codegen_flags: <defaults>
</compile_context>

<pallas_src>
import functools

import numpy as np
import jax
import jax.numpy as jnp
from jax import lax
from jax.experimental import pallas as pl
from jax.experimental.pallas import tpu as pltpu
from jax.experimental.pallas import tpu_sc as plsc

N_ROWS = 16384
N_COLS = 1000
BR = 2048
G = N_ROWS // BR
N_TILES = 32
CHUNK = N_ROWS // N_TILES
L = 16
NV = CHUNK // L


def _tc_body(probs_ref, labels_ref, conf_ref, acc_ref):
    x = probs_ref[...]
    conf = jnp.max(x, axis=0)
    idx = lax.broadcasted_iota(jnp.int32, x.shape, 0)
    cand = jnp.where(x == conf[None, :], idx, N_COLS)
    pred = jnp.min(cand, axis=0)
    lab = labels_ref[0, 0, :]
    acc = (pred == lab).astype(jnp.float32)
    conf_ref[0, 0, :] = conf
    acc_ref[0, 0, :] = acc


def _tc_stage(probs, labels3):
    probs_t = probs.T
    conf3, acc3 = pl.pallas_call(
        _tc_body,
        grid=(G,),
        in_specs=[
            pl.BlockSpec((N_COLS, BR), lambda i: (0, i)),
            pl.BlockSpec((1, 1, BR), lambda i: (i, 0, 0)),
        ],
        out_specs=[
            pl.BlockSpec((1, 1, BR), lambda i: (i, 0, 0)),
            pl.BlockSpec((1, 1, BR), lambda i: (i, 0, 0)),
        ],
        out_shape=[
            jax.ShapeDtypeStruct((G, 1, BR), jnp.float32),
            jax.ShapeDtypeStruct((G, 1, BR), jnp.float32),
        ],
    )(probs_t, labels3)
    return conf3.reshape(-1), acc3.reshape(-1)


def _sc_stage(conf, acc):
    mesh = plsc.VectorSubcoreMesh(core_axis_name="c", subcore_axis_name="s")

    @functools.partial(
        pl.kernel,
        mesh=mesh,
        out_type=jax.ShapeDtypeStruct((8 * N_TILES, 16), jnp.float32),
        scratch_types=[
            pltpu.VMEM((CHUNK,), jnp.float32),
            pltpu.VMEM((CHUNK,), jnp.float32),
            pltpu.VMEM((8, 16), jnp.float32),
        ],
    )
    def k(conf_hbm, acc_hbm, out_hbm, conf_v, acc_v, hist):
        cid = lax.axis_index("c")
        sid = lax.axis_index("s")
        wid = sid * 2 + cid
        zeros = jnp.zeros((L,), jnp.float32)
        lanes = lax.broadcasted_iota(jnp.int32, (L,), 0)
        step = jnp.float32(np.float32(1.0 / 15.0))
        lf = lanes.astype(jnp.float32)
        blow = jnp.where(lanes == 15, 2.0, lf * step)
        bhigh = jnp.where(lanes == 15, 2.0,
                          jnp.where(lanes == 14, 1.0, (lf + 1.0) * step))

        def _compute():
            base = wid * CHUNK
            pltpu.sync_copy(conf_hbm.at[pl.ds(base, CHUNK)], conf_v)
            pltpu.sync_copy(acc_hbm.at[pl.ds(base, CHUNK)], acc_v)

            def body(i, carry):
                cnt_s, acc_s, cf_s = carry
                off = pl.multiple_of(i * L, L)
                cvec = conf_v[pl.ds(off, L)]
                avec = acc_v[pl.ds(off, L)]
                for e in range(L):
                    c_e = cvec[e]
                    a_e = avec[e]
                    m = (c_e > blow) & (c_e <= bhigh)
                    inc = jnp.where(m, 1.0, 0.0)
                    cnt_s = cnt_s + inc
                    acc_s = acc_s + inc * a_e
                    cf_s = cf_s + inc * c_e
                return cnt_s, acc_s, cf_s

            cnt_s, acc_s, cf_s = lax.fori_loop(0, NV, body,
                                               (zeros, zeros, zeros))
            hist[0, pl.ds(0, 16)] = cnt_s
            hist[1, pl.ds(0, 16)] = acc_s
            hist[2, pl.ds(0, 16)] = cf_s
            for r in range(3, 8):
                hist[r, pl.ds(0, 16)] = zeros
            pltpu.sync_copy(hist, out_hbm.at[pl.ds(wid * 8, 8)])

        _compute()

    return k(conf, acc)


def _combine_body(part_ref, out_ref):
    x = part_ref[...]
    rows = lax.broadcasted_iota(jnp.int32, x.shape, 0)
    q = rows % 8
    cnt = jnp.sum(jnp.where(q == 0, x, 0.0), axis=0)
    accs = jnp.sum(jnp.where(q == 1, x, 0.0), axis=0)
    cfs = jnp.sum(jnp.where(q == 2, x, 0.0), axis=0)
    n = jnp.float32(N_ROWS)
    prop = cnt / n
    safe = jnp.maximum(cnt, 1.0)
    gap = jnp.abs(cfs / safe - accs / safe) * prop
    gap = jnp.where(cnt > 0, gap, 0.0)
    out_ref[0] = jnp.sum(gap)


def _combine_stage(partials):
    out = pl.pallas_call(
        _combine_body,
        out_specs=pl.BlockSpec(memory_space=pltpu.SMEM),
        out_shape=jax.ShapeDtypeStruct((1,), jnp.float32),
    )(partials)
    return out


def kernel(probs, labels):
    labels3 = labels.astype(jnp.int32).reshape(G, 1, BR)
    conf, acc = _tc_stage(probs, labels3)
    partials = _sc_stage(conf, acc)
    return _combine_stage(partials)

# --- scband reference (transcript-rebuilt; emitter-appended) ---
"""Pipeline reference for scband-eceloss-26414048870985 (READ-ONLY COPY).

The authoritative reference and input builder live on the scoring server;
editing this copy changes nothing except your own understanding.
"""

import jax, jax.numpy as jnp
import numpy as np

N_BINS = 15

def setup_inputs(seed: int = 0) -> dict:
    key = jax.random.key(seed)
    k1, k2 = jax.random.split(key)
    probs = jax.random.uniform(k1, (16384, 1000), dtype=jnp.float32)
    labels = jax.random.randint(k2, (16384,), 0, 1000, dtype=jnp.int64)
    return {"probs": probs, "labels": labels}


def reference(probs, labels):
    # confidences, predictions = torch.max(probs, 1)
    confidences = jnp.max(probs, axis=1)
    predictions = jnp.argmax(probs, axis=1)
    accuracies = (predictions == labels).astype(jnp.float32)

    bin_boundaries = jnp.linspace(0.0, 1.0, N_BINS + 1)
    bin_lowers = bin_boundaries[:-1]
    bin_uppers = bin_boundaries[1:]

    # in_bin: [n_bins, N]  (confidences > lower) & (confidences <= upper)
    in_bin = (confidences[None, :] > bin_lowers[:, None]) & (confidences[None, :] <= bin_uppers[:, None])
    in_bin_f = in_bin.astype(jnp.float32)

    count = in_bin_f.sum(axis=1)                      # [n_bins]
    n = jnp.float32(confidences.shape[0])
    prop_in_bin = count / n                           # [n_bins]

    safe_count = jnp.maximum(count, 1.0)
    accuracy_in_bin = (in_bin_f * accuracies[None, :]).sum(axis=1) / safe_count
    avg_confidence_in_bin = (in_bin_f * confidences[None, :]).sum(axis=1) / safe_count

    gap = jnp.abs(avg_confidence_in_bin - accuracy_in_bin) * prop_in_bin
    ece = jnp.sum(jnp.where(count > 0, gap, 0.0))
    return jnp.reshape(ece, (1,))

if __name__ == "__main__":
    import jax
    _d = setup_inputs()
    print(jax.jit(kernel)(*tuple(_d.values())))

</pallas_src>

<mosaic_0001>
#map = affine_map<(d0, d1) -> (0)>
#map1 = affine_map<(d0, d1) -> (0, 0)>
module attributes {stable_mosaic.version = 14 : i64} {
  func.func @k(%arg0: i32, %arg1: i32, %arg2: memref<16384xf32, #tpu.memory_space<hbm>>, %arg3: memref<16384xf32, #tpu.memory_space<hbm>>, %arg4: memref<256x16xf32, #tpu.memory_space<hbm>>, %arg5: memref<512xf32, #tpu.memory_space<vmem>>, %arg6: memref<512xf32, #tpu.memory_space<vmem>>, %arg7: memref<8x16xf32, #tpu.memory_space<vmem>>) attributes {dimension_semantics = [#tpu.dimension_semantics<core_parallel>, #tpu.dimension_semantics<subcore_parallel>], iteration_bounds = array<i64: 2, 16>, scalar_prefetch = 0 : i64, scratch_operands = 3 : i64, tpu.core_type = #tpu.core_type<sc_vector_subcore>, window_params = [{transform_indices = #map}, {transform_indices = #map}, {transform_indices = #map1}]} {
    %mul3A = arith.constant 2 : i32
    %mul3A_0 = arith.muli %arg1, %mul3A : i32
    %add3A = arith.addi %mul3A_0, %arg0 : i32
    %broadcast_in_dim3A = arith.constant 0.000000e+00 : f32
    %broadcast_in_dim3A_1 = vector.broadcast %broadcast_in_dim3A : f32 to vector<16xf32>
    %iota3A = tpu.iota {dimensions = array<i32: 0>} : vector<16xi32>
    %convert_element_type3A = arith.sitofp %iota3A : vector<16xi32> to vector<16xf32>
    %eq3A = arith.constant 15 : i32
    %eq3A_2 = vector.broadcast %eq3A : i32 to vector<16xi32>
    %eq3A_3 = arith.cmpi eq, %iota3A, %eq3A_2 : vector<16xi32>
    %mul3A_4 = arith.constant 0.0666666701 : f32
    %mul3A_5 = vector.broadcast %mul3A_4 : f32 to vector<16xf32>
    %mul3A_6 = arith.mulf %convert_element_type3A, %mul3A_5 : vector<16xf32>
    %jit3A = arith.constant 2.000000e+00 : f32
    %broadcast_in_dim3A_7 = vector.broadcast %jit3A : f32 to vector<16xf32>
    %select_n3A = arith.select %eq3A_3, %broadcast_in_dim3A_7, %mul3A_6 : vector<16xi1>, vector<16xf32>
    %eq3A_8 = arith.constant 15 : i32
    %eq3A_9 = vector.broadcast %eq3A_8 : i32 to vector<16xi32>
    %eq3A_10 = arith.cmpi eq, %iota3A, %eq3A_9 : vector<16xi32>
    %eq3A_11 = arith.constant 14 : i32
    %eq3A_12 = vector.broadcast %eq3A_11 : i32 to vector<16xi32>
    %eq3A_13 = arith.cmpi eq, %iota3A, %eq3A_12 : vector<16xi32>
    %add3A_14 = arith.constant 1.000000e+00 : f32
    %add3A_15 = vector.broadcast %add3A_14 : f32 to vector<16xf32>
    %add3A_16 = arith.addf %convert_element_type3A, %add3A_15 : vector<16xf32>
    %mul3A_17 = arith.constant 0.0666666701 : f32
    %mul3A_18 = vector.broadcast %mul3A_17 : f32 to vector<16xf32>
    %mul3A_19 = arith.mulf %add3A_16, %mul3A_18 : vector<16xf32>
    %jit3A_20 = arith.constant 1.000000e+00 : f32
    %broadcast_in_dim3A_21 = vector.broadcast %jit3A_20 : f32 to vector<16xf32>
    %select_n3A_22 = arith.select %eq3A_13, %broadcast_in_dim3A_21, %mul3A_19 : vector<16xi1>, vector<16xf32>
    %jit3A_23 = arith.constant 2.000000e+00 : f32
    %broadcast_in_dim3A_24 = vector.broadcast %jit3A_23 : f32 to vector<16xf32>
    %select_n3A_25 = arith.select %eq3A_10, %broadcast_in_dim3A_24, %select_n3A_22 : vector<16xi1>, vector<16xf32>
    %mul3A_26 = arith.constant 512 : i32
    %mul3A_27 = arith.muli %add3A, %mul3A_26 : i32
    "tpu.region"() ({
      %run_scoped3A = tpu.sem_alloc : memref<!tpu.dma_semaphore, #tpu.memory_space<semaphore_mem>>
      %dma_start3A = tpu.memref_slice %arg2[%mul3A_27] : memref<16384xf32, #tpu.memory_space<hbm>> -> memref<512xf32, #tpu.memory_space<hbm>>
      %dma_start3A_82 = tpu.memref_slice %arg2[%mul3A_27] : memref<16384xf32, #tpu.memory_space<hbm>> -> memref<512xf32, #tpu.memory_space<hbm>>
      tpu.enqueue_dma source(%dma_start3A_82 : memref<512xf32, #tpu.memory_space<hbm>>) target(%arg5 : memref<512xf32, #tpu.memory_space<vmem>>) target_semaphore(%run_scoped3A : memref<!tpu.dma_semaphore, #tpu.memory_space<semaphore_mem>>)
      %dma_wait3A = tpu.memref_slice %arg2[%mul3A_27] : memref<16384xf32, #tpu.memory_space<hbm>> -> memref<512xf32, #tpu.memory_space<hbm>>
      %dma_wait3A_83 = tpu.memref_slice %arg2[%mul3A_27] : memref<16384xf32, #tpu.memory_space<hbm>> -> memref<512xf32, #tpu.memory_space<hbm>>
      tpu.wait_dma2 semaphore(%run_scoped3A : memref<!tpu.dma_semaphore, #tpu.memory_space<semaphore_mem>>) src(%dma_wait3A_83 : memref<512xf32, #tpu.memory_space<hbm>>) dst(%arg5 : memref<512xf32, #tpu.memory_space<vmem>>)
      tpu.yield
    }) : () -> ()
    "tpu.region"() ({
      %run_scoped3A = tpu.sem_alloc : memref<!tpu.dma_semaphore, #tpu.memory_space<semaphore_mem>>
      %dma_start3A = tpu.memref_slice %arg3[%mul3A_27] : memref<16384xf32, #tpu.memory_space<hbm>> -> memref<512xf32, #tpu.memory_space<hbm>>
      %dma_start3A_82 = tpu.memref_slice %arg3[%mul3A_27] : memref<16384xf32, #tpu.memory_space<hbm>> -> memref<512xf32, #tpu.memory_space<hbm>>
      tpu.enqueue_dma source(%dma_start3A_82 : memref<512xf32, #tpu.memory_space<hbm>>) target(%arg6 : memref<512xf32, #tpu.memory_space<vmem>>) target_semaphore(%run_scoped3A : memref<!tpu.dma_semaphore, #tpu.memory_space<semaphore_mem>>)
      %dma_wait3A = tpu.memref_slice %arg3[%mul3A_27] : memref<16384xf32, #tpu.memory_space<hbm>> -> memref<512xf32, #tpu.memory_space<hbm>>
      %dma_wait3A_83 = tpu.memref_slice %arg3[%mul3A_27] : memref<16384xf32, #tpu.memory_space<hbm>> -> memref<512xf32, #tpu.memory_space<hbm>>
      tpu.wait_dma2 semaphore(%run_scoped3A : memref<!tpu.dma_semaphore, #tpu.memory_space<semaphore_mem>>) src(%dma_wait3A_83 : memref<512xf32, #tpu.memory_space<hbm>>) dst(%arg6 : memref<512xf32, #tpu.memory_space<vmem>>)
      tpu.yield
    }) : () -> ()
    %scan3A = arith.constant 0 : i32
    %scan3A_28 = arith.constant 32 : i32
    %scan3A_29 = arith.addi %scan3A, %scan3A_28 : i32
    %scan3A_30 = arith.constant 1 : i32
    %scan3A_31:3 = scf.for %scan3A_82 = %scan3A to %scan3A_29 step %scan3A_30 iter_args(%scan3A_83 = %broadcast_in_dim3A_1, %scan3A_84 = %broadcast_in_dim3A_1, %scan3A_85 = %broadcast_in_dim3A_1) -> (vector<16xf32>, vector<16xf32>, vector<16xf32>)  : i32 {
      %mul3A_86 = arith.constant 16 : i32
      %mul3A_87 = arith.muli %scan3A_82, %mul3A_86 : i32
      %multiple_of3A = tpu.assume_multiple %mul3A_87, 16 : i32
      %get3A = arith.index_cast %multiple_of3A : i32 to index
      %get3A_88 = tpu.vector_load %arg5[%get3A] {strides = array<i32>} : memref<512xf32, #tpu.memory_space<vmem>>, vector<16xf32>,
      %get3A_89 = vector.shape_cast %get3A_88 : vector<16xf32> to vector<16xf32>
      %get3A_90 = arith.index_cast %multiple_of3A : i32 to index
      %get3A_91 = tpu.vector_load %arg6[%get3A_90] {strides = array<i32>} : memref<512xf32, #tpu.memory_space<vmem>>, vector<16xf32>,
      %get3A_92 = vector.shape_cast %get3A_91 : vector<16xf32> to vector<16xf32>
      %slice3A = vector.extract_strided_slice %get3A_89 {offsets = [0], sizes = [1], strides = [1]} : vector<16xf32> to vector<1xf32>
      %squeeze3A = vector.extract %slice3A[0] : f32 from vector<1xf32>
      %slice3A_93 = vector.extract_strided_slice %get3A_92 {offsets = [0], sizes = [1], strides = [1]} : vector<16xf32> to vector<1xf32>
      %squeeze3A_94 = vector.extract %slice3A_93[0] : f32 from vector<1xf32>
      %gt3A = vector.broadcast %squeeze3A : f32 to vector<16xf32>
      %gt3A_95 = arith.cmpf ogt, %gt3A, %select_n3A : vector<16xf32>
      %le3A = vector.broadcast %squeeze3A : f32 to vector<16xf32>
      %le3A_96 = arith.cmpf ole, %le3A, %select_n3A_25 : vector<16xf32>
      %and3A = arith.andi %gt3A_95, %le3A_96 : vector<16xi1>
      %jit3A_97 = arith.constant 1.000000e+00 : f32
      %jit3A_98 = arith.constant 0.000000e+00 : f32
      %broadcast_in_dim3A_99 = vector.broadcast %jit3A_97 : f32 to vector<16xf32>
      %broadcast_in_dim3A_100 = vector.broadcast %jit3A_98 : f32 to vector<16xf32>
      %select_n3A_101 = arith.select %and3A, %broadcast_in_dim3A_99, %broadcast_in_dim3A_100 : vector<16xi1>, vector<16xf32>
      %add3A_102 = arith.addf %scan3A_83, %select_n3A_101 : vector<16xf32>
      %mul3A_103 = vector.broadcast %squeeze3A_94 : f32 to vector<16xf32>
      %mul3A_104 = arith.mulf %select_n3A_101, %mul3A_103 : vector<16xf32>
      %add3A_105 = arith.addf %scan3A_84, %mul3A_104 : vector<16xf32>
      %mul3A_106 = vector.broadcast %squeeze3A : f32 to vector<16xf32>
      %mul3A_107 = arith.mulf %select_n3A_101, %mul3A_106 : vector<16xf32>
      %add3A_108 = arith.addf %scan3A_85, %mul3A_107 : vector<16xf32>
      %slice3A_109 = vector.extract_strided_slice %get3A_89 {offsets = [1], sizes = [1], strides = [1]} : vector<16xf32> to vector<1xf32>
      %squeeze3A_110 = vector.extract %slice3A_109[0] : f32 from vector<1xf32>
      %slice3A_111 = vector.extract_strided_slice %get3A_92 {offsets = [1], sizes = [1], strides = [1]} : vector<16xf32> to vector<1xf32>
      %squeeze3A_112 = vector.extract %slice3A_111[0] : f32 from vector<1xf32>
      %gt3A_113 = vector.broadcast %squeeze3A_110 : f32 to vector<16xf32>
      %gt3A_114 = arith.cmpf ogt, %gt3A_113, %select_n3A : vector<16xf32>
      %le3A_115 = vector.broadcast %squeeze3A_110 : f32 to vector<16xf32>
      %le3A_116 = arith.cmpf ole, %le3A_115, %select_n3A_25 : vector<16xf32>
      %and3A_117 = arith.andi %gt3A_114, %le3A_116 : vector<16xi1>
      %jit3A_118 = arith.constant 1.000000e+00 : f32
      %jit3A_119 = arith.constant 0.000000e+00 : f32
      %broadcast_in_dim3A_120 = vector.broadcast %jit3A_118 : f32 to vector<16xf32>
      %broadcast_in_dim3A_121 = vector.broadcast %jit3A_119 : f32 to vector<16xf32>
      %select_n3A_122 = arith.select %and3A_117, %broadcast_in_dim3A_120, %broadcast_in_dim3A_121 : vector<16xi1>, vector<16xf32>
      %add3A_123 = arith.addf %add3A_102, %select_n3A_122 : vector<16xf32>
      %mul3A_124 = vector.broadcast %squeeze3A_112 : f32 to vector<16xf32>
      %mul3A_125 = arith.mulf %select_n3A_122, %mul3A_124 : vector<16xf32>
      %add3A_126 = arith.addf %add3A_105, %mul3A_125 : vector<16xf32>
      %mul3A_127 = vector.broadcast %squeeze3A_110 : f32 to vector<16xf32>
      %mul3A_128 = arith.mulf %select_n3A_122, %mul3A_127 : vector<16xf32>
      %add3A_129 = arith.addf %add3A_108, %mul3A_128 : vector<16xf32>
      %slice3A_130 = vector.extract_strided_slice %get3A_89 {offsets = [2], sizes = [1], strides = [1]} : vector<16xf32> to vector<1xf32>
      %squeeze3A_131 = vector.extract %slice3A_130[0] : f32 from vector<1xf32>
      %slice3A_132 = vector.extract_strided_slice %get3A_92 {offsets = [2], sizes = [1], strides = [1]} : vector<16xf32> to vector<1xf32>
      %squeeze3A_133 = vector.extract %slice3A_132[0] : f32 from vector<1xf32>
      %gt3A_134 = vector.broadcast %squeeze3A_131 : f32 to vector<16xf32>
      %gt3A_135 = arith.cmpf ogt, %gt3A_134, %select_n3A : vector<16xf32>
      %le3A_136 = vector.broadcast %squeeze3A_131 : f32 to vector<16xf32>
      %le3A_137 = arith.cmpf ole, %le3A_136, %select_n3A_25 : vector<16xf32>
      %and3A_138 = arith.andi %gt3A_135, %le3A_137 : vector<16xi1>
      %jit3A_139 = arith.constant 1.000000e+00 : f32
      %jit3A_140 = arith.constant 0.000000e+00 : f32
      %broadcast_in_dim3A_141 = vector.broadcast %jit3A_139 : f32 to vector<16xf32>
      %broadcast_in_dim3A_142 = vector.broadcast %jit3A_140 : f32 to vector<16xf32>
      %select_n3A_143 = arith.select %and3A_138, %broadcast_in_dim3A_141, %broadcast_in_dim3A_142 : vector<16xi1>, vector<16xf32>
      %add3A_144 = arith.addf %add3A_123, %select_n3A_143 : vector<16xf32>
      %mul3A_145 = vector.broadcast %squeeze3A_133 : f32 to vector<16xf32>
      %mul3A_146 = arith.mulf %select_n3A_143, %mul3A_145 : vector<16xf32>
      %add3A_147 = arith.addf %add3A_126, %mul3A_146 : vector<16xf32>
      %mul3A_148 = vector.broadcast %squeeze3A_131 : f32 to vector<16xf32>
      %mul3A_149 = arith.mulf %select_n3A_143, %mul3A_148 : vector<16xf32>
      %add3A_150 = arith.addf %add3A_129, %mul3A_149 : vector<16xf32>
      %slice3A_151 = vector.extract_strided_slice %get3A_89 {offsets = [3], sizes = [1], strides = [1]} : vector<16xf32> to vector<1xf32>
      %squeeze3A_152 = vector.extract %slice3A_151[0] : f32 from vector<1xf32>
      %slice3A_153 = vector.extract_strided_slice %get3A_92 {offsets = [3], sizes = [1], strides = [1]} : vector<16xf32> to vector<1xf32>
      %squeeze3A_154 = vector.extract %slice3A_153[0] : f32 from vector<1xf32>
      %gt3A_155 = vector.broadcast %squeeze3A_152 : f32 to vector<16xf32>
      %gt3A_156 = arith.cmpf ogt, %gt3A_155, %select_n3A : vector<16xf32>
      %le3A_157 = vector.broadcast %squeeze3A_152 : f32 to vector<16xf32>
      %le3A_158 = arith.cmpf ole, %le3A_157, %select_n3A_25 : vector<16xf32>
      %and3A_159 = arith.andi %gt3A_156, %le3A_158 : vector<16xi1>
      %jit3A_160 = arith.constant 1.000000e+00 : f32
      %jit3A_161 = arith.constant 0.000000e+00 : f32
      %broadcast_in_dim3A_162 = vector.broadcast %jit3A_160 : f32 to vector<16xf32>
      %broadcast_in_dim3A_163 = vector.broadcast %jit3A_161 : f32 to vector<16xf32>
      %select_n3A_164 = arith.select %and3A_159, %broadcast_in_dim3A_162, %broadcast_in_dim3A_163 : vector<16xi1>, vector<16xf32>
      %add3A_165 = arith.addf %add3A_144, %select_n3A_164 : vector<16xf32>
      %mul3A_166 = vector.broadcast %squeeze3A_154 : f32 to vector<16xf32>
      %mul3A_167 = arith.mulf %select_n3A_164, %mul3A_166 : vector<16xf32>
      %add3A_168 = arith.addf %add3A_147, %mul3A_167 : vector<16xf32>
      %mul3A_169 = vector.broadcast %squeeze3A_152 : f32 to vector<16xf32>
      %mul3A_170 = arith.mulf %select_n3A_164, %mul3A_169 : vector<16xf32>
      %add3A_171 = arith.addf %add3A_150, %mul3A_170 : vector<16xf32>
      %slice3A_172 = vector.extract_strided_slice %get3A_89 {offsets = [4], sizes = [1], strides = [1]} : vector<16xf32> to vector<1xf32>
      %squeeze3A_173 = vector.extract %slice3A_172[0] : f32 from vector<1xf32>
      %slice3A_174 = vector.extract_strided_slice %get3A_92 {offsets = [4], sizes = [1], strides = [1]} : vector<16xf32> to vector<1xf32>
      %squeeze3A_175 = vector.extract %slice3A_174[0] : f32 from vector<1xf32>
      %gt3A_176 = vector.broadcast %squeeze3A_173 : f32 to vector<16xf32>
      %gt3A_177 = arith.cmpf ogt, %gt3A_176, %select_n3A : vector<16xf32>
      %le3A_178 = vector.broadcast %squeeze3A_173 : f32 to vector<16xf32>
      %le3A_179 = arith.cmpf ole, %le3A_178, %select_n3A_25 : vector<16xf32>
      %and3A_180 = arith.andi %gt3A_177, %le3A_179 : vector<16xi1>
      %jit3A_181 = arith.constant 1.000000e+00 : f32
      %jit3A_182 = arith.constant 0.000000e+00 : f32
      %broadcast_in_dim3A_183 = vector.broadcast %jit3A_181 : f32 to vector<16xf32>
      %broadcast_in_dim3A_184 = vector.broadcast %jit3A_182 : f32 to vector<16xf32>
      %select_n3A_185 = arith.select %and3A_180, %broadcast_in_dim3A_183, %broadcast_in_dim3A_184 : vector<16xi1>, vector<16xf32>
      %add3A_186 = arith.addf %add3A_165, %select_n3A_185 : vector<16xf32>
      %mul3A_187 = vector.broadcast %squeeze3A_175 : f32 to vector<16xf32>
      %mul3A_188 = arith.mulf %select_n3A_185, %mul3A_187 : vector<16xf32>
      %add3A_189 = arith.addf %add3A_168, %mul3A_188 : vector<16xf32>
      %mul3A_190 = vector.broadcast %squeeze3A_173 : f32 to vector<16xf32>
      %mul3A_191 = arith.mulf %select_n3A_185, %mul3A_190 : vector<16xf32>
      %add3A_192 = arith.addf %add3A_171, %mul3A_191 : vector<16xf32>
      %slice3A_193 = vector.extract_strided_slice %get3A_89 {offsets = [5], sizes = [1], strides = [1]} : vector<16xf32> to vector<1xf32>
      %squeeze3A_194 = vector.extract %slice3A_193[0] : f32 from vector<1xf32>
      %slice3A_195 = vector.extract_strided_slice %get3A_92 {offsets = [5], sizes = [1], strides = [1]} : vector<16xf32> to vector<1xf32>
      %squeeze3A_196 = vector.extract %slice3A_195[0] : f32 from vector<1xf32>
      %gt3A_197 = vector.broadcast %squeeze3A_194 : f32 to vector<16xf32>
      %gt3A_198 = arith.cmpf ogt, %gt3A_197, %select_n3A : vector<16xf32>
      %le3A_199 = vector.broadcast %squeeze3A_194 : f32 to vector<16xf32>
      %le3A_200 = arith.cmpf ole, %le3A_199, %select_n3A_25 : vector<16xf32>
      %and3A_201 = arith.andi %gt3A_198, %le3A_200 : vector<16xi1>
      %jit3A_202 = arith.constant 1.000000e+00 : f32
      %jit3A_203 = arith.constant 0.000000e+00 : f32
      %broadcast_in_dim3A_204 = vector.broadcast %jit3A_202 : f32 to vector<16xf32>
      %broadcast_in_dim3A_205 = vector.broadcast %jit3A_203 : f32 to vector<16xf32>
      %select_n3A_206 = arith.select %and3A_201, %broadcast_in_dim3A_204, %broadcast_in_dim3A_205 : vector<16xi1>, vector<16xf32>
      %add3A_207 = arith.addf %add3A_186, %select_n3A_206 : vector<16xf32>
      %mul3A_208 = vector.broadcast %squeeze3A_196 : f32 to vector<16xf32>
      %mul3A_209 = arith.mulf %select_n3A_206, %mul3A_208 : vector<16xf32>
      %add3A_210 = arith.addf %add3A_189, %mul3A_209 : vector<16xf32>
      %mul3A_211 = vector.broadcast %squeeze3A_194 : f32 to vector<16xf32>
      %mul3A_212 = arith.mulf %select_n3A_206, %mul3A_211 : vector<16xf32>
      %add3A_213 = arith.addf %add3A_192, %mul3A_212 : vector<16xf32>
      %slice3A_214 = vector.extract_strided_slice %get3A_89 {offsets = [6], sizes = [1], strides = [1]} : vector<16xf32> to vector<1xf32>
      %squeeze3A_215 = vector.extract %slice3A_214[0] : f32 from vector<1xf32>
      %slice3A_216 = vector.extract_strided_slice %get3A_92 {offsets = [6], sizes = [1], strides = [1]} : vector<16xf32> to vector<1xf32>
      %squeeze3A_217 = vector.extract %slice3A_216[0] : f32 from vector<1xf32>
      %gt3A_218 = vector.broadcast %squeeze3A_215 : f32 to vector<16xf32>
      %gt3A_219 = arith.cmpf ogt, %gt3A_218, %select_n3A : vector<16xf32>
      %le3A_220 = vector.broadcast %squeeze3A_215 : f32 to vector<16xf32>
      %le3A_221 = arith.cmpf ole, %le3A_220, %select_n3A_25 : vector<16xf32>
      %and3A_222 = arith.andi %gt3A_219, %le3A_221 : vector<16xi1>
      %jit3A_223 = arith.constant 1.000000e+00 : f32
      %jit3A_224 = arith.constant 0.000000e+00 : f32
      %broadcast_in_dim3A_225 = vector.broadcast %jit3A_223 : f32 to vector<16xf32>
      %broadcast_in_dim3A_226 = vector.broadcast %jit3A_224 : f32 to vector<16xf32>
      %select_n3A_227 = arith.select %and3A_222, %broadcast_in_dim3A_225, %broadcast_in_dim3A_226 : vector<16xi1>, vector<16xf32>
      %add3A_228 = arith.addf %add3A_207, %select_n3A_227 : vector<16xf32>
      %mul3A_229 = vector.broadcast %squeeze3A_217 : f32 to vector<16xf32>
      %mul3A_230 = arith.mulf %select_n3A_227, %mul3A_229 : vector<16xf32>
      %add3A_231 = arith.addf %add3A_210, %mul3A_230 : vector<16xf32>
      %mul3A_232 = vector.broadcast %squeeze3A_215 : f32 to vector<16xf32>
      %mul3A_233 = arith.mulf %select_n3A_227, %mul3A_232 : vector<16xf32>
      %add3A_234 = arith.addf %add3A_213, %mul3A_233 : vector<16xf32>
      %slice3A_235 = vector.extract_strided_slice %get3A_89 {offsets = [7], sizes = [1], strides = [1]} : vector<16xf32> to vector<1xf32>
      %squeeze3A_236 = vector.extract %slice3A_235[0] : f32 from vector<1xf32>
      %slice3A_237 = vector.extract_strided_slice %get3A_92 {offsets = [7], sizes = [1], strides = [1]} : vector<16xf32> to vector<1xf32>
      %squeeze3A_238 = vector.extract %slice3A_237[0] : f32 from vector<1xf32>
      %gt3A_239 = vector.broadcast %squeeze3A_236 : f32 to vector<16xf32>
      %gt3A_240 = arith.cmpf ogt, %gt3A_239, %select_n3A : vector<16xf32>
      %le3A_241 = vector.broadcast %squeeze3A_236 : f32 to vector<16xf32>
      %le3A_242 = arith.cmpf ole, %le3A_241, %select_n3A_25 : vector<16xf32>
      %and3A_243 = arith.andi %gt3A_240, %le3A_242 : vector<16xi1>
      %jit3A_244 = arith.constant 1.000000e+00 : f32
      %jit3A_245 = arith.constant 0.000000e+00 : f32
      %broadcast_in_dim3A_246 = vector.broadcast %jit3A_244 : f32 to vector<16xf32>
      %broadcast_in_dim3A_247 = vector.broadcast %jit3A_245 : f32 to vector<16xf32>
      %select_n3A_248 = arith.select %and3A_243, %broadcast_in_dim3A_246, %broadcast_in_dim3A_247 : vector<16xi1>, vector<16xf32>
      %add3A_249 = arith.addf %add3A_228, %select_n3A_248 : vector<16xf32>
      %mul3A_250 = vector.broadcast %squeeze3A_238 : f32 to vector<16xf32>
      %mul3A_251 = arith.mulf %select_n3A_248, %mul3A_250 : vector<16xf32>
      %add3A_252 = arith.addf %add3A_231, %mul3A_251 : vector<16xf32>
      %mul3A_253 = vector.broadcast %squeeze3A_236 : f32 to vector<16xf32>
      %mul3A_254 = arith.mulf %select_n3A_248, %mul3A_253 : vector<16xf32>
      %add3A_255 = arith.addf %add3A_234, %mul3A_254 : vector<16xf32>
      %slice3A_256 = vector.extract_strided_slice %get3A_89 {offsets = [8], sizes = [1], strides = [1]} : vector<16xf32> to vector<1xf32>
      %squeeze3A_257 = vector.extract %slice3A_256[0] : f32 from vector<1xf32>
      %slice3A_258 = vector.extract_strided_slice %get3A_92 {offsets = [8], sizes = [1], strides = [1]} : vector<16xf32> to vector<1xf32>
      %squeeze3A_259 = vector.extract %slice3A_258[0] : f32 from vector<1xf32>
      %gt3A_260 = vector.broadcast %squeeze3A_257 : f32 to vector<16xf32>
      %gt3A_261 = arith.cmpf ogt, %gt3A_260, %select_n3A : vector<16xf32>
      %le3A_262 = vector.broadcast %squeeze3A_257 : f32 to vector<16xf32>
      %le3A_263 = arith.cmpf ole, %le3A_262, %select_n3A_25 : vector<16xf32>
      %and3A_264 = arith.andi %gt3A_261, %le3A_263 : vector<16xi1>
      %jit3A_265 = arith.constant 1.000000e+00 : f32
      %jit3A_266 = arith.constant 0.000000e+00 : f32
      %broadcast_in_dim3A_267 = vector.broadcast %jit3A_265 : f32 to vector<16xf32>
      %broadcast_in_dim3A_268 = vector.broadcast %jit3A_266 : f32 to vector<16xf32>
      %select_n3A_269 = arith.select %and3A_264, %broadcast_in_dim3A_267, %broadcast_in_dim3A_268 : vector<16xi1>, vector<16xf32>
      %add3A_270 = arith.addf %add3A_249, %select_n3A_269 : vector<16xf32>
      %mul3A_271 = vector.broadcast %squeeze3A_259 : f32 to vector<16xf32>
      %mul3A_272 = arith.mulf %select_n3A_269, %mul3A_271 : vector<16xf32>
      %add3A_273 = arith.addf %add3A_252, %mul3A_272 : vector<16xf32>
      %mul3A_274 = vector.broadcast %squeeze3A_257 : f32 to vector<16xf32>
      %mul3A_275 = arith.mulf %select_n3A_269, %mul3A_274 : vector<16xf32>
      %add3A_276 = arith.addf %add3A_255, %mul3A_275 : vector<16xf32>
      %slice3A_277 = vector.extract_strided_slice %get3A_89 {offsets = [9], sizes = [1], strides = [1]} : vector<16xf32> to vector<1xf32>
      %squeeze3A_278 = vector.extract %slice3A_277[0] : f32 from vector<1xf32>
      %slice3A_279 = vector.extract_strided_slice %get3A_92 {offsets = [9], sizes = [1], strides = [1]} : vector<16xf32> to vector<1xf32>
      %squeeze3A_280 = vector.extract %slice3A_279[0] : f32 from vector<1xf32>
      %gt3A_281 = vector.broadcast %squeeze3A_278 : f32 to vector<16xf32>
      %gt3A_282 = arith.cmpf ogt, %gt3A_281, %select_n3A : vector<16xf32>
      %le3A_283 = vector.broadcast %squeeze3A_278 : f32 to vector<16xf32>
      %le3A_284 = arith.cmpf ole, %le3A_283, %select_n3A_25 : vector<16xf32>
      %and3A_285 = arith.andi %gt3A_282, %le3A_284 : vector<16xi1>
      %jit3A_286 = arith.constant 1.000000e+00 : f32
      %jit3A_287 = arith.constant 0.000000e+00 : f32
      %broadcast_in_dim3A_288 = vector.broadcast %jit3A_286 : f32 to vector<16xf32>
      %broadcast_in_dim3A_289 = vector.broadcast %jit3A_287 : f32 to vector<16xf32>
      %select_n3A_290 = arith.select %and3A_285, %broadcast_in_dim3A_288, %broadcast_in_dim3A_289 : vector<16xi1>, vector<16xf32>
      %add3A_291 = arith.addf %add3A_270, %select_n3A_290 : vector<16xf32>
      %mul3A_292 = vector.broadcast %squeeze3A_280 : f32 to vector<16xf32>
      %mul3A_293 = arith.mulf %select_n3A_290, %mul3A_292 : vector<16xf32>
      %add3A_294 = arith.addf %add3A_273, %mul3A_293 : vector<16xf32>
      %mul3A_295 = vector.broadcast %squeeze3A_278 : f32 to vector<16xf32>
      %mul3A_296 = arith.mulf %select_n3A_290, %mul3A_295 : vector<16xf32>
      %add3A_297 = arith.addf %add3A_276, %mul3A_296 : vector<16xf32>
      %slice3A_298 = vector.extract_strided_slice %get3A_89 {offsets = [10], sizes = [1], strides = [1]} : vector<16xf32> to vector<1xf32>
      %squeeze3A_299 = vector.extract %slice3A_298[0] : f32 from vector<1xf32>
      %slice3A_300 = vector.extract_strided_slice %get3A_92 {offsets = [10], sizes = [1], strides = [1]} : vector<16xf32> to vector<1xf32>
      %squeeze3A_301 = vector.extract %slice3A_300[0] : f32 from vector<1xf32>
      %gt3A_302 = vector.broadcast %squeeze3A_299 : f32 to vector<16xf32>
      %gt3A_303 = arith.cmpf ogt, %gt3A_302, %select_n3A : vector<16xf32>
      %le3A_304 = vector.broadcast %squeeze3A_299 : f32 to vector<16xf32>
      %le3A_305 = arith.cmpf ole, %le3A_304, %select_n3A_25 : vector<16xf32>
      %and3A_306 = arith.andi %gt3A_303, %le3A_305 : vector<16xi1>
      %jit3A_307 = arith.constant 1.000000e+00 : f32
      %jit3A_308 = arith.constant 0.000000e+00 : f32
      %broadcast_in_dim3A_309 = vector.broadcast %jit3A_307 : f32 to vector<16xf32>
      %broadcast_in_dim3A_310 = vector.broadcast %jit3A_308 : f32 to vector<16xf32>
      %select_n3A_311 = arith.select %and3A_306, %broadcast_in_dim3A_309, %broadcast_in_dim3A_310 : vector<16xi1>, vector<16xf32>
      %add3A_312 = arith.addf %add3A_291, %select_n3A_311 : vector<16xf32>
      %mul3A_313 = vector.broadcast %squeeze3A_301 : f32 to vector<16xf32>
      %mul3A_314 = arith.mulf %select_n3A_311, %mul3A_313 : vector<16xf32>
      %add3A_315 = arith.addf %add3A_294, %mul3A_314 : vector<16xf32>
      %mul3A_316 = vector.broadcast %squeeze3A_299 : f32 to vector<16xf32>
      %mul3A_317 = arith.mulf %select_n3A_311, %mul3A_316 : vector<16xf32>
      %add3A_318 = arith.addf %add3A_297, %mul3A_317 : vector<16xf32>
      %slice3A_319 = vector.extract_strided_slice %get3A_89 {offsets = [11], sizes = [1], strides = [1]} : vector<16xf32> to vector<1xf32>
      %squeeze3A_320 = vector.extract %slice3A_319[0] : f32 from vector<1xf32>
      %slice3A_321 = vector.extract_strided_slice %get3A_92 {offsets = [11], sizes = [1], strides = [1]} : vector<16xf32> to vector<1xf32>
      %squeeze3A_322 = vector.extract %slice3A_321[0] : f32 from vector<1xf32>
      %gt3A_323 = vector.broadcast %squeeze3A_320 : f32 to vector<16xf32>
      %gt3A_324 = arith.cmpf ogt, %gt3A_323, %select_n3A : vector<16xf32>
      %le3A_325 = vector.broadcast %squeeze3A_320 : f32 to vector<16xf32>
      %le3A_326 = arith.cmpf ole, %le3A_325, %select_n3A_25 : vector<16xf32>
      %and3A_327 = arith.andi %gt3A_324, %le3A_326 : vector<16xi1>
      %jit3A_328 = arith.constant 1.000000e+00 : f32
      %jit3A_329 = arith.constant 0.000000e+00 : f32
      %broadcast_in_dim3A_330 = vector.broadcast %jit3A_328 : f32 to vector<16xf32>
      %broadcast_in_dim3A_331 = vector.broadcast %jit3A_329 : f32 to vector<16xf32>
      %select_n3A_332 = arith.select %and3A_327, %broadcast_in_dim3A_330, %broadcast_in_dim3A_331 : vector<16xi1>, vector<16xf32>
      %add3A_333 = arith.addf %add3A_312, %select_n3A_332 : vector<16xf32>
      %mul3A_334 = vector.broadcast %squeeze3A_322 : f32 to vector<16xf32>
      %mul3A_335 = arith.mulf %select_n3A_332, %mul3A_334 : vector<16xf32>
      %add3A_336 = arith.addf %add3A_315, %mul3A_335 : vector<16xf32>
      %mul3A_337 = vector.broadcast %squeeze3A_320 : f32 to vector<16xf32>
      %mul3A_338 = arith.mulf %select_n3A_332, %mul3A_337 : vector<16xf32>
      %add3A_339 = arith.addf %add3A_318, %mul3A_338 : vector<16xf32>
      %slice3A_340 = vector.extract_strided_slice %get3A_89 {offsets = [12], sizes = [1], strides = [1]} : vector<16xf32> to vector<1xf32>
      %squeeze3A_341 = vector.extract %slice3A_340[0] : f32 from vector<1xf32>
      %slice3A_342 = vector.extract_strided_slice %get3A_92 {offsets = [12], sizes = [1], strides = [1]} : vector<16xf32> to vector<1xf32>
      %squeeze3A_343 = vector.extract %slice3A_342[0] : f32 from vector<1xf32>
      %gt3A_344 = vector.broadcast %squeeze3A_341 : f32 to vector<16xf32>
      %gt3A_345 = arith.cmpf ogt, %gt3A_344, %select_n3A : vector<16xf32>
      %le3A_346 = vector.broadcast %squeeze3A_341 : f32 to vector<16xf32>
      %le3A_347 = arith.cmpf ole, %le3A_346, %select_n3A_25 : vector<16xf32>
      %and3A_348 = arith.andi %gt3A_345, %le3A_347 : vector<16xi1>
      %jit3A_349 = arith.constant 1.000000e+00 : f32
      %jit3A_350 = arith.constant 0.000000e+00 : f32
      %broadcast_in_dim3A_351 = vector.broadcast %jit3A_349 : f32 to vector<16xf32>
      %broadcast_in_dim3A_352 = vector.broadcast %jit3A_350 : f32 to vector<16xf32>
      %select_n3A_353 = arith.select %and3A_348, %broadcast_in_dim3A_351, %broadcast_in_dim3A_352 : vector<16xi1>, vector<16xf32>
      %add3A_354 = arith.addf %add3A_333, %select_n3A_353 : vector<16xf32>
      %mul3A_355 = vector.broadcast %squeeze3A_343 : f32 to vector<16xf32>
      %mul3A_356 = arith.mulf %select_n3A_353, %mul3A_355 : vector<16xf32>
      %add3A_357 = arith.addf %add3A_336, %mul3A_356 : vector<16xf32>
      %mul3A_358 = vector.broadcast %squeeze3A_341 : f32 to vector<16xf32>
      %mul3A_359 = arith.mulf %select_n3A_353, %mul3A_358 : vector<16xf32>
      %add3A_360 = arith.addf %add3A_339, %mul3A_359 : vector<16xf32>
      %slice3A_361 = vector.extract_strided_slice %get3A_89 {offsets = [13], sizes = [1], strides = [1]} : vector<16xf32> to vector<1xf32>
      %squeeze3A_362 = vector.extract %slice3A_361[0] : f32 from vector<1xf32>
      %slice3A_363 = vector.extract_strided_slice %get3A_92 {offsets = [13], sizes = [1], strides = [1]} : vector<16xf32> to vector<1xf32>
      %squeeze3A_364 = vector.extract %slice3A_363[0] : f32 from vector<1xf32>
      %gt3A_365 = vector.broadcast %squeeze3A_362 : f32 to vector<16xf32>
      %gt3A_366 = arith.cmpf ogt, %gt3A_365, %select_n3A : vector<16xf32>
      %le3A_367 = vector.broadcast %squeeze3A_362 : f32 to vector<16xf32>
      %le3A_368 = arith.cmpf ole, %le3A_367, %select_n3A_25 : vector<16xf32>
      %and3A_369 = arith.andi %gt3A_366, %le3A_368 : vector<16xi1>
      %jit3A_370 = arith.constant 1.000000e+00 : f32
      %jit3A_371 = arith.constant 0.000000e+00 : f32
      %broadcast_in_dim3A_372 = vector.broadcast %jit3A_370 : f32 to vector<16xf32>
      %broadcast_in_dim3A_373 = vector.broadcast %jit3A_371 : f32 to vector<16xf32>
      %select_n3A_374 = arith.select %and3A_369, %broadcast_in_dim3A_372, %broadcast_in_dim3A_373 : vector<16xi1>, vector<16xf32>
      %add3A_375 = arith.addf %add3A_354, %select_n3A_374 : vector<16xf32>
      %mul3A_376 = vector.broadcast %squeeze3A_364 : f32 to vector<16xf32>
      %mul3A_377 = arith.mulf %select_n3A_374, %mul3A_376 : vector<16xf32>
      %add3A_378 = arith.addf %add3A_357, %mul3A_377 : vector<16xf32>
      %mul3A_379 = vector.broadcast %squeeze3A_362 : f32 to vector<16xf32>
      %mul3A_380 = arith.mulf %select_n3A_374, %mul3A_379 : vector<16xf32>
      %add3A_381 = arith.addf %add3A_360, %mul3A_380 : vector<16xf32>
      %slice3A_382 = vector.extract_strided_slice %get3A_89 {offsets = [14], sizes = [1], strides = [1]} : vector<16xf32> to vector<1xf32>
      %squeeze3A_383 = vector.extract %slice3A_382[0] : f32 from vector<1xf32>
      %slice3A_384 = vector.extract_strided_slice %get3A_92 {offsets = [14], sizes = [1], strides = [1]} : vector<16xf32> to vector<1xf32>
      %squeeze3A_385 = vector.extract %slice3A_384[0] : f32 from vector<1xf32>
      %gt3A_386 = vector.broadcast %squeeze3A_383 : f32 to vector<16xf32>
      %gt3A_387 = arith.cmpf ogt, %gt3A_386, %select_n3A : vector<16xf32>
      %le3A_388 = vector.broadcast %squeeze3A_383 : f32 to vector<16xf32>
      %le3A_389 = arith.cmpf ole, %le3A_388, %select_n3A_25 : vector<16xf32>
      %and3A_390 = arith.andi %gt3A_387, %le3A_389 : vector<16xi1>
      %jit3A_391 = arith.constant 1.000000e+00 : f32
      %jit3A_392 = arith.constant 0.000000e+00 : f32
      %broadcast_in_dim3A_393 = vector.broadcast %jit3A_391 : f32 to vector<16xf32>
      %broadcast_in_dim3A_394 = vector.broadcast %jit3A_392 : f32 to vector<16xf32>
      %select_n3A_395 = arith.select %and3A_390, %broadcast_in_dim3A_393, %broadcast_in_dim3A_394 : vector<16xi1>, vector<16xf32>
      %add3A_396 = arith.addf %add3A_375, %select_n3A_395 : vector<16xf32>
      %mul3A_397 = vector.broadcast %squeeze3A_385 : f32 to vector<16xf32>
      %mul3A_398 = arith.mulf %select_n3A_395, %mul3A_397 : vector<16xf32>
      %add3A_399 = arith.addf %add3A_378, %mul3A_398 : vector<16xf32>
      %mul3A_400 = vector.broadcast %squeeze3A_383 : f32 to vector<16xf32>
      %mul3A_401 = arith.mulf %select_n3A_395, %mul3A_400 : vector<16xf32>
      %add3A_402 = arith.addf %add3A_381, %mul3A_401 : vector<16xf32>
      %slice3A_403 = vector.extract_strided_slice %get3A_89 {offsets = [15], sizes = [1], strides = [1]} : vector<16xf32> to vector<1xf32>
      %squeeze3A_404 = vector.extract %slice3A_403[0] : f32 from vector<1xf32>
      %slice3A_405 = vector.extract_strided_slice %get3A_92 {offsets = [15], sizes = [1], strides = [1]} : vector<16xf32> to vector<1xf32>
      %squeeze3A_406 = vector.extract %slice3A_405[0] : f32 from vector<1xf32>
      %gt3A_407 = vector.broadcast %squeeze3A_404 : f32 to vector<16xf32>
      %gt3A_408 = arith.cmpf ogt, %gt3A_407, %select_n3A : vector<16xf32>
      %le3A_409 = vector.broadcast %squeeze3A_404 : f32 to vector<16xf32>
      %le3A_410 = arith.cmpf ole, %le3A_409, %select_n3A_25 : vector<16xf32>
      %and3A_411 = arith.andi %gt3A_408, %le3A_410 : vector<16xi1>
      %jit3A_412 = arith.constant 1.000000e+00 : f32
      %jit3A_413 = arith.constant 0.000000e+00 : f32
      %broadcast_in_dim3A_414 = vector.broadcast %jit3A_412 : f32 to vector<16xf32>
      %broadcast_in_dim3A_415 = vector.broadcast %jit3A_413 : f32 to vector<16xf32>
      %select_n3A_416 = arith.select %and3A_411, %broadcast_in_dim3A_414, %broadcast_in_dim3A_415 : vector<16xi1>, vector<16xf32>
      %add3A_417 = arith.addf %add3A_396, %select_n3A_416 : vector<16xf32>
      %mul3A_418 = vector.broadcast %squeeze3A_406 : f32 to vector<16xf32>
      %mul3A_419 = arith.mulf %select_n3A_416, %mul3A_418 : vector<16xf32>
      %add3A_420 = arith.addf %add3A_399, %mul3A_419 : vector<16xf32>
      %mul3A_421 = vector.broadcast %squeeze3A_404 : f32 to vector<16xf32>
      %mul3A_422 = arith.mulf %select_n3A_416, %mul3A_421 : vector<16xf32>
      %add3A_423 = arith.addf %add3A_402, %mul3A_422 : vector<16xf32>
      scf.yield %add3A_417, %add3A_420, %add3A_423 : vector<16xf32>, vector<16xf32>, vector<16xf32>
    }
    %scan3A_32 = arith.constant 32 : i32
    %swap3A = arith.constant 0 : i32
    %swap3A_33 = arith.index_cast %swap3A : i32 to index
    %swap3A_34 = arith.constant 0 : index
    %swap3A_35 = tpu.vector_load %arg7[%swap3A_33, %swap3A_34] {strides = array<i32>} : memref<8x16xf32, #tpu.memory_space<vmem>>, vector<1x16xf32>,
    %swap3A_36 = vector.shape_cast %swap3A_35 : vector<1x16xf32> to vector<16xf32>
    %swap3A_37 = vector.shape_cast %scan3A_31#0 : vector<16xf32> to vector<1x16xf32>
    tpu.vector_store %arg7[%swap3A_33, %swap3A_34], %swap3A_37 {strides = array<i32>} : memref<8x16xf32, #tpu.memory_space<vmem>>, vector<1x16xf32>,
    %swap3A_38 = arith.constant 1 : i32
    %swap3A_39 = arith.index_cast %swap3A_38 : i32 to index
    %swap3A_40 = arith.constant 0 : index
    %swap3A_41 = tpu.vector_load %arg7[%swap3A_39, %swap3A_40] {strides = array<i32>} : memref<8x16xf32, #tpu.memory_space<vmem>>, vector<1x16xf32>,
    %swap3A_42 = vector.shape_cast %swap3A_41 : vector<1x16xf32> to vector<16xf32>
    %swap3A_43 = vector.shape_cast %scan3A_31#1 : vector<16xf32> to vector<1x16xf32>
    tpu.vector_store %arg7[%swap3A_39, %swap3A_40], %swap3A_43 {strides = array<i32>} : memref<8x16xf32, #tpu.memory_space<vmem>>, vector<1x16xf32>,
    %swap3A_44 = arith.constant 2 : i32
    %swap3A_45 = arith.index_cast %swap3A_44 : i32 to index
    %swap3A_46 = arith.constant 0 : index
    %swap3A_47 = tpu.vector_load %arg7[%swap3A_45, %swap3A_46] {strides = array<i32>} : memref<8x16xf32, #tpu.memory_space<vmem>>, vector<1x16xf32>,
    %swap3A_48 = vector.shape_cast %swap3A_47 : vector<1x16xf32> to vector<16xf32>
    %swap3A_49 = vector.shape_cast %scan3A_31#2 : vector<16xf32> to vector<1x16xf32>
    tpu.vector_store %arg7[%swap3A_45, %swap3A_46], %swap3A_49 {strides = array<i32>} : memref<8x16xf32, #tpu.memory_space<vmem>>, vector<1x16xf32>,
    %swap3A_50 = arith.constant 3 : i32
    %swap3A_51 = arith.index_cast %swap3A_50 : i32 to index
    %swap3A_52 = arith.constant 0 : index
    %swap3A_53 = tpu.vector_load %arg7[%swap3A_51, %swap3A_52] {strides = array<i32>} : memref<8x16xf32, #tpu.memory_space<vmem>>, vector<1x16xf32>,
    %swap3A_54 = vector.shape_cast %swap3A_53 : vector<1x16xf32> to vector<16xf32>
    %swap3A_55 = vector.shape_cast %broadcast_in_dim3A_1 : vector<16xf32> to vector<1x16xf32>
    tpu.vector_store %arg7[%swap3A_51, %swap3A_52], %swap3A_55 {strides = array<i32>} : memref<8x16xf32, #tpu.memory_space<vmem>>, vector<1x16xf32>,
    %swap3A_56 = arith.constant 4 : i32
    %swap3A_57 = arith.index_cast %swap3A_56 : i32 to index
    %swap3A_58 = arith.constant 0 : index
    %swap3A_59 = tpu.vector_load %arg7[%swap3A_57, %swap3A_58] {strides = array<i32>} : memref<8x16xf32, #tpu.memory_space<vmem>>, vector<1x16xf32>,
    %swap3A_60 = vector.shape_cast %swap3A_59 : vector<1x16xf32> to vector<16xf32>
    %swap3A_61 = vector.shape_cast %broadcast_in_dim3A_1 : vector<16xf32> to vector<1x16xf32>
    tpu.vector_store %arg7[%swap3A_57, %swap3A_58], %swap3A_61 {strides = array<i32>} : memref<8x16xf32, #tpu.memory_space<vmem>>, vector<1x16xf32>,
    %swap3A_62 = arith.constant 5 : i32
    %swap3A_63 = arith.index_cast %swap3A_62 : i32 to index
    %swap3A_64 = arith.constant 0 : index
    %swap3A_65 = tpu.vector_load %arg7[%swap3A_63, %swap3A_64] {strides = array<i32>} : memref<8x16xf32, #tpu.memory_space<vmem>>, vector<1x16xf32>,
    %swap3A_66 = vector.shape_cast %swap3A_65 : vector<1x16xf32> to vector<16xf32>
    %swap3A_67 = vector.shape_cast %broadcast_in_dim3A_1 : vector<16xf32> to vector<1x16xf32>
    tpu.vector_store %arg7[%swap3A_63, %swap3A_64], %swap3A_67 {strides = array<i32>} : memref<8x16xf32, #tpu.memory_space<vmem>>, vector<1x16xf32>,
    %swap3A_68 = arith.constant 6 : i32
    %swap3A_69 = arith.index_cast %swap3A_68 : i32 to index
    %swap3A_70 = arith.constant 0 : index
    %swap3A_71 = tpu.vector_load %arg7[%swap3A_69, %swap3A_70] {strides = array<i32>} : memref<8x16xf32, #tpu.memory_space<vmem>>, vector<1x16xf32>,
    %swap3A_72 = vector.shape_cast %swap3A_71 : vector<1x16xf32> to vector<16xf32>
    %swap3A_73 = vector.shape_cast %broadcast_in_dim3A_1 : vector<16xf32> to vector<1x16xf32>
    tpu.vector_store %arg7[%swap3A_69, %swap3A_70], %swap3A_73 {strides = array<i32>} : memref<8x16xf32, #tpu.memory_space<vmem>>, vector<1x16xf32>,
    %swap3A_74 = arith.constant 7 : i32
    %swap3A_75 = arith.index_cast %swap3A_74 : i32 to index
    %swap3A_76 = arith.constant 0 : index
    %swap3A_77 = tpu.vector_load %arg7[%swap3A_75, %swap3A_76] {strides = array<i32>} : memref<8x16xf32, #tpu.memory_space<vmem>>, vector<1x16xf32>,
    %swap3A_78 = vector.shape_cast %swap3A_77 : vector<1x16xf32> to vector<16xf32>
    %swap3A_79 = vector.shape_cast %broadcast_in_dim3A_1 : vector<16xf32> to vector<1x16xf32>
    tpu.vector_store %arg7[%swap3A_75, %swap3A_76], %swap3A_79 {strides = array<i32>} : memref<8x16xf32, #tpu.memory_space<vmem>>, vector<1x16xf32>,
    %mul3A_80 = arith.constant 8 : i32
    %mul3A_81 = arith.muli %add3A, %mul3A_80 : i32
    "tpu.region"() ({
      %run_scoped3A = tpu.sem_alloc : memref<!tpu.dma_semaphore, #tpu.memory_space<semaphore_mem>>
      %dma_start3A = arith.constant 0 : i32
      %dma_start3A_82 = tpu.memref_slice %arg4[%mul3A_81, %dma_start3A] : memref<256x16xf32, #tpu.memory_space<hbm>> -> memref<8x16xf32, #tpu.memory_space<hbm>>
      %dma_start3A_83 = arith.constant 0 : i32
      %dma_start3A_84 = tpu.memref_slice %arg4[%mul3A_81, %dma_start3A_83] : memref<256x16xf32, #tpu.memory_space<hbm>> -> memref<8x16xf32, #tpu.memory_space<hbm>>
      tpu.enqueue_dma source(%arg7 : memref<8x16xf32, #tpu.memory_space<vmem>>) target(%dma_start3A_84 : memref<8x16xf32, #tpu.memory_space<hbm>>) target_semaphore(%run_scoped3A : memref<!tpu.dma_semaphore, #tpu.memory_space<semaphore_mem>>)
      %dma_wait3A = arith.constant 0 : i32
      %dma_wait3A_85 = tpu.memref_slice %arg4[%mul3A_81, %dma_wait3A] : memref<256x16xf32, #tpu.memory_space<hbm>> -> memref<8x16xf32, #tpu.memory_space<hbm>>
      %dma_wait3A_86 = arith.constant 0 : i32
      %dma_wait3A_87 = tpu.memref_slice %arg4[%mul3A_81, %dma_wait3A_86] : memref<256x16xf32, #tpu.memory_space<hbm>> -> memref<8x16xf32, #tpu.memory_space<hbm>>
      tpu.wait_dma2 semaphore(%run_scoped3A : memref<!tpu.dma_semaphore, #tpu.memory_space<semaphore_mem>>) src(%arg7 : memref<8x16xf32, #tpu.memory_space<vmem>>) dst(%dma_wait3A_87 : memref<8x16xf32, #tpu.memory_space<hbm>>)
      tpu.yield
    }) : () -> ()
    return
  }
}

module attributes {stable_mosaic.version = 14 : i64} {
  func.func @_tc_body(%arg0: i32, %arg1: memref<1000x2048xf32, #tpu.memory_space<vmem>>, %arg2: memref<1x1x2048xi32, #tpu.memory_space<vmem>>, %arg3: memref<1x1x2048xf32, #tpu.memory_space<vmem>>, %arg4: memref<1x1x2048xf32, #tpu.memory_space<vmem>>) attributes {dimension_semantics = [#tpu.dimension_semantics<arbitrary>], iteration_bounds = array<i64: 8>, scalar_prefetch = 0 : i64, scratch_operands = 0 : i64, tpu.core_type = #tpu.core_type<tc>, window_params = [{transform_indices = @transform_0, window_bounds = array<i64: 1000, 2048>}, {transform_indices = @transform_1, window_bounds = array<i64: 1, 1, 2048>}, {transform_indices = @transform_2, window_bounds = array<i64: 1, 1, 2048>}, {transform_indices = @transform_3, window_bounds = array<i64: 1, 1, 2048>}]} {
    %get3A = arith.constant 0 : index
    %get3A_0 = arith.constant 0 : index
    %get3A_1 = vector.load %arg1[%get3A, %get3A_0] : memref<1000x2048xf32, #tpu.memory_space<vmem>>, vector<1000x2048xf32>
    %reduce_max3A = arith.constant dense<0xFF800000> : vector<2048xf32>
    %reduce_max3A_2 = vector.multi_reduction <maximumf>, %get3A_1, %reduce_max3A [0] : vector<1000x2048xf32> to vector<2048xf32>
    %iota3A = tpu.iota {dimensions = array<i32: 0>} : vector<1000x2048xi32>
    %broadcast_in_dim3A = vector.shape_cast %reduce_max3A_2 : vector<2048xf32> to vector<1x2048xf32>
    %eq3A = vector.broadcast %broadcast_in_dim3A : vector<1x2048xf32> to vector<1000x2048xf32>
    %eq3A_3 = arith.cmpf oeq, %get3A_1, %eq3A : vector<1000x2048xf32>
    %jit3A = arith.constant 1000 : i32
    %broadcast_in_dim3A_4 = vector.broadcast %jit3A : i32 to vector<1000x2048xi32>
    %select_n3A = arith.select %eq3A_3, %iota3A, %broadcast_in_dim3A_4 : vector<1000x2048xi1>, vector<1000x2048xi32>
    %reduce_min3A = arith.constant dense<2147483647> : vector<2048xi32>
    %reduce_min3A_5 = vector.multi_reduction <minsi>, %select_n3A, %reduce_min3A [0] : vector<1000x2048xi32> to vector<2048xi32>
    %get3A_6 = arith.constant 0 : index
    %get3A_7 = arith.constant 0 : index
    %get3A_8 = arith.constant 0 : index
    %get3A_9 = vector.load %arg2[%get3A_6, %get3A_7, %get3A_8] : memref<1x1x2048xi32, #tpu.memory_space<vmem>>, vector<1x1x2048xi32>
    %get3A_10 = vector.shape_cast %get3A_9 : vector<1x1x2048xi32> to vector<2048xi32>
    %eq3A_11 = arith.cmpi eq, %reduce_min3A_5, %get3A_10 : vector<2048xi32>
    %convert_element_type3A = arith.extui %eq3A_11 : vector<2048xi1> to vector<2048xi32>
    %convert_element_type3A_12 = arith.sitofp %convert_element_type3A : vector<2048xi32> to vector<2048xf32>
    %swap3A = arith.constant 0 : index
    %swap3A_13 = arith.constant 0 : index
    %swap3A_14 = arith.constant 0 : index
    %swap3A_15 = vector.load %arg3[%swap3A, %swap3A_13, %swap3A_14] : memref<1x1x2048xf32, #tpu.memory_space<vmem>>, vector<1x1x2048xf32>
    %swap3A_16 = vector.shape_cast %swap3A_15 : vector<1x1x2048xf32> to vector<2048xf32>
    %swap3A_17 = vector.shape_cast %reduce_max3A_2 : vector<2048xf32> to vector<1x1x2048xf32>
    tpu.vector_store %arg3[%swap3A, %swap3A_13, %swap3A_14], %swap3A_17 {strides = array<i32>} : memref<1x1x2048xf32, #tpu.memory_space<vmem>>, vector<1x1x2048xf32>,
    %swap3A_18 = arith.constant 0 : index
    %swap3A_19 = arith.constant 0 : index
    %swap3A_20 = arith.constant 0 : index
    %swap3A_21 = vector.load %arg4[%swap3A_18, %swap3A_19, %swap3A_20] : memref<1x1x2048xf32, #tpu.memory_space<vmem>>, vector<1x1x2048xf32>
    %swap3A_22 = vector.shape_cast %swap3A_21 : vector<1x1x2048xf32> to vector<2048xf32>
    %swap3A_23 = vector.shape_cast %convert_element_type3A_12 : vector<2048xf32> to vector<1x1x2048xf32>
    tpu.vector_store %arg4[%swap3A_18, %swap3A_19, %swap3A_20], %swap3A_23 {strides = array<i32>} : memref<1x1x2048xf32, #tpu.memory_space<vmem>>, vector<1x1x2048xf32>,
    return
  }
  func.func @transform_0(%arg0: i32) -> (i32, i32) {
    %c0_i32 = arith.constant 0 : i32
    %c0_i32_0 = arith.constant 0 : i32
    return %c0_i32, %arg0 : i32, i32
  }
  func.func @transform_1(%arg0: i32) -> (i32, i32, i32) {
    %c0_i32 = arith.constant 0 : i32
    %c0_i32_0 = arith.constant 0 : i32
    %c0_i32_1 = arith.constant 0 : i32
    return %arg0, %c0_i32, %c0_i32_0 : i32, i32, i32
  }
  func.func @transform_2(%arg0: i32) -> (i32, i32, i32) {
    %c0_i32 = arith.constant 0 : i32
    %c0_i32_0 = arith.constant 0 : i32
    %c0_i32_1 = arith.constant 0 : i32
    return %arg0, %c0_i32, %c0_i32_0 : i32, i32, i32
  }
  func.func @transform_3(%arg0: i32) -> (i32, i32, i32) {
    %c0_i32 = arith.constant 0 : i32
    %c0_i32_0 = arith.constant 0 : i32
    %c0_i32_1 = arith.constant 0 : i32
    return %arg0, %c0_i32, %c0_i32_0 : i32, i32, i32
  }
}

module attributes {stable_mosaic.version = 14 : i64} {
  func.func @_combine_body(%arg0: memref<256x16xf32, #tpu.memory_space<vmem>>, %arg1: memref<1xf32, #tpu.memory_space<smem>>) attributes {dimension_semantics = [], scalar_prefetch = 0 : i64, scratch_operands = 0 : i64, tpu.core_type = #tpu.core_type<tc>} {
    %get3A = arith.constant 0 : index
    %get3A_0 = arith.constant 0 : index
    %get3A_1 = vector.load %arg0[%get3A, %get3A_0] : memref<256x16xf32, #tpu.memory_space<vmem>>, vector<256x16xf32>
    %iota3A = tpu.iota {dimensions = array<i32: 0>} : vector<256x16xi32>
    %jit3A = arith.constant 8 : i32
    %eq3A = arith.constant 0 : i32
    %eq3A_2 = arith.cmpi eq, %jit3A, %eq3A : i32
    %jit3A_3 = arith.constant 1 : i32
    %select_n3A = arith.select %eq3A_2, %jit3A_3, %jit3A : i32
    %rem3A = vector.broadcast %select_n3A : i32 to vector<256x16xi32>
    %rem3A_4 = arith.remsi %iota3A, %rem3A : vector<256x16xi32>
    %ne3A = arith.constant 0 : i32
    %ne3A_5 = vector.broadcast %ne3A : i32 to vector<256x16xi32>
    %ne3A_6 = arith.cmpi ne, %rem3A_4, %ne3A_5 : vector<256x16xi32>
    %lt3A = arith.constant 0 : i32
    %lt3A_7 = vector.broadcast %lt3A : i32 to vector<256x16xi32>
    %lt3A_8 = arith.cmpi slt, %rem3A_4, %lt3A_7 : vector<256x16xi32>
    %lt3A_9 = arith.constant 0 : i32
    %lt3A_10 = arith.cmpi slt, %select_n3A, %lt3A_9 : i32
    %ne3A_11 = vector.broadcast %lt3A_10 : i1 to vector<256x16xi1>
    %ne3A_12 = vector.broadcast %ne3A_11 : vector<256x16xi1> to vector<256x16xi1>
    %ne3A_13 = arith.xori %lt3A_8, %ne3A_12 : vector<256x16xi1>
    %and3A = arith.andi %ne3A_13, %ne3A_6 : vector<256x16xi1>
    %add3A = vector.broadcast %select_n3A : i32 to vector<256x16xi32>
    %add3A_14 = arith.addi %rem3A_4, %add3A : vector<256x16xi32>
    %select_n3A_15 = arith.select %and3A, %add3A_14, %rem3A_4 : vector<256x16xi1>, vector<256x16xi32>
    %eq3A_16 = arith.constant 0 : i32
    %eq3A_17 = vector.broadcast %eq3A_16 : i32 to vector<256x16xi32>
    %eq3A_18 = arith.cmpi eq, %select_n3A_15, %eq3A_17 : vector<256x16xi32>
    %jit3A_19 = arith.constant 0.000000e+00 : f32
    %broadcast_in_dim3A = vector.broadcast %jit3A_19 : f32 to vector<256x16xf32>
    %select_n3A_20 = arith.select %eq3A_18, %get3A_1, %broadcast_in_dim3A : vector<256x16xi1>, vector<256x16xf32>
    %reduce_sum3A = arith.constant dense<0.000000e+00> : vector<16xf32>
    %reduce_sum3A_21 = vector.multi_reduction <add>, %select_n3A_20, %reduce_sum3A [0] : vector<256x16xf32> to vector<16xf32>
    %eq3A_22 = arith.constant 1 : i32
    %eq3A_23 = vector.broadcast %eq3A_22 : i32 to vector<256x16xi32>
    %eq3A_24 = arith.cmpi eq, %select_n3A_15, %eq3A_23 : vector<256x16xi32>
    %jit3A_25 = arith.constant 0.000000e+00 : f32
    %broadcast_in_dim3A_26 = vector.broadcast %jit3A_25 : f32 to vector<256x16xf32>
    %select_n3A_27 = arith.select %eq3A_24, %get3A_1, %broadcast_in_dim3A_26 : vector<256x16xi1>, vector<256x16xf32>
    %reduce_sum3A_28 = arith.constant dense<0.000000e+00> : vector<16xf32>
    %reduce_sum3A_29 = vector.multi_reduction <add>, %select_n3A_27, %reduce_sum3A_28 [0] : vector<256x16xf32> to vector<16xf32>
    %eq3A_30 = arith.constant 2 : i32
    %eq3A_31 = vector.broadcast %eq3A_30 : i32 to vector<256x16xi32>
    %eq3A_32 = arith.cmpi eq, %select_n3A_15, %eq3A_31 : vector<256x16xi32>
    %jit3A_33 = arith.constant 0.000000e+00 : f32
    %broadcast_in_dim3A_34 = vector.broadcast %jit3A_33 : f32 to vector<256x16xf32>
    %select_n3A_35 = arith.select %eq3A_32, %get3A_1, %broadcast_in_dim3A_34 : vector<256x16xi1>, vector<256x16xf32>
    %reduce_sum3A_36 = arith.constant dense<0.000000e+00> : vector<16xf32>
    %reduce_sum3A_37 = vector.multi_reduction <add>, %select_n3A_35, %reduce_sum3A_36 [0] : vector<256x16xf32> to vector<16xf32>
    %div3A = arith.constant 1.638400e+04 : f32
    %div3A_38 = vector.broadcast %div3A : f32 to vector<16xf32>
    %div3A_39 = arith.divf %reduce_sum3A_21, %div3A_38 : vector<16xf32>
    %max3A = arith.constant 1.000000e+00 : f32
    %max3A_40 = vector.broadcast %max3A : f32 to vector<16xf32>
    %max3A_41 = arith.maximumf %reduce_sum3A_21, %max3A_40 : vector<16xf32>
    %div3A_42 = arith.divf %reduce_sum3A_37, %max3A_41 : vector<16xf32>
    %div3A_43 = arith.divf %reduce_sum3A_29, %max3A_41 : vector<16xf32>
    %sub3A = arith.subf %div3A_42, %div3A_43 : vector<16xf32>
    %abs3A = math.absf %sub3A : vector<16xf32>
    %mul3A = arith.mulf %abs3A, %div3A_39 : vector<16xf32>
    %gt3A = arith.constant 0.000000e+00 : f32
    %gt3A_44 = vector.broadcast %gt3A : f32 to vector<16xf32>
    %gt3A_45 = arith.cmpf ogt, %reduce_sum3A_21, %gt3A_44 : vector<16xf32>
    %jit3A_46 = arith.constant 0.000000e+00 : f32
    %broadcast_in_dim3A_47 = vector.broadcast %jit3A_46 : f32 to vector<16xf32>
    %select_n3A_48 = arith.select %gt3A_45, %mul3A, %broadcast_in_dim3A_47 : vector<16xi1>, vector<16xf32>
    %reduce_sum3A_49 = vector.shape_cast %select_n3A_48 : vector<16xf32> to vector<1x16xf32>
    %reduce_sum3A_50 = arith.constant dense<0.000000e+00> : vector<1xf32>
    %reduce_sum3A_51 = vector.multi_reduction <add>, %reduce_sum3A_49, %reduce_sum3A_50 [1] : vector<1x16xf32> to vector<1xf32>
    %reduce_sum3A_52 = vector.shape_cast %reduce_sum3A_51 : vector<1xf32> to vector<1x1xf32>
    %reduce_sum3A_53 = vector.extract %reduce_sum3A_52[0, 0] : f32 from vector<1x1xf32>
    %swap3A = arith.constant 0 : index
    %swap3A_54 = memref.load %arg1[%swap3A] : memref<1xf32, #tpu.memory_space<smem>>
    memref.store %reduce_sum3A_53, %arg1[%swap3A] : memref<1xf32, #tpu.memory_space<smem>>
    return
  }
}

</mosaic_0001>

<sc_bundles>
// kernel: kernel.5.cloned.1.call-start
scs
__scs_entry_jumppad:
0x0: {  	(pc) =	sbr.rel $0x88, $3  }
0x1: {  	(tag) =	ssettag $0x0;
	lr =	simm.s32 $0x1  }
0x2: {  	[smem:$0x3F9F] =	sst lr;
	_ =	strace $0xD0000000  }
0x3: {  	_ = 	snop  }
0x4: {  	_ = 	snop  }
0x5: {  	_ = 	snop  }
0x6: {  	_ = 	snop  }
0x7: {  	_ = 	snop  }
__scs_overlays_trampoline_lowered:
0x8: {  	[smem:$0x3FAE] =	sst s0  }
0x9: {  	[smem:$0x3FAF] =	sst s1  }
0xa: {  	[smem:$0x3FB0] =	sst s2  }
0xb: {  	[smem:$0x3FB1] =	sst s3  }
0xc: {  	[smem:$0x3FB2] =	sst s4  }
0xd: {  	[smem:$0x3FB3] =	sst s5  }
0xe: {  	[smem:$0x3FB4] =	sst s6  }
0xf: {  	[smem:$0x3FB5] =	sst s7  }
0x10: {  	[smem:$0x3FB6] =	sst s8  }
0x11: {  	[smem:$0x3FB7] =	sst s9;
	s0 =	simm.s32 @!p0 $0x0  }
0x12: {  	s1 =	sld [smem:$0x3F9D];
	s0 =	simm.s32 @p0 $0x1  }
0x13: {  	[smem:$0x3FB8] =	sst s0;
	s0 =	simm.s32 @!p1 $0x0  }
0x14: {  	s2 =	sld [smem:$0x3F9C];
	s0 =	simm.s32 @p1 $0x1  }
0x15: {  	[smem:$0x3FB9] =	sst s0;
	s0 =	simm.s32 @!p2 $0x0  }
0x16: {  	s3 =	sld [smem:$0x3FDB];
	s0 =	simm.s32 @p2 $0x1  }
0x17: {  	s4 =	simm.s32 $0x1BF5;
	[smem:$0x3FBB] =	sst s0  }
0x18: {  	s0 =	sld [smem:$0x3F9E];
	_ =	swait.ge [sflag:s4], $0x0  }
0x19: {  	s7 =	sld [smem:$0x3F9F]  }
0x1a: {  	s8 =	sadd.s32 $0xFFFFE003, lr  }
0x1b: {  	s9 =	sadd.s32 $0xFFFFFEF7, lr;
	s5 =	simm.s32 $0xFFFFFFFF;
	p2 =	slt.u32 s8, $0xFFFFF086  }
0x1c: {  	p1 =	slt.u32 s9, $0xF7A;
	s5 =	simm.s32 @!p2 $0x0  }
0x1d: {  	s5 =	simm.s32 @p1 $0x1;
	p0 =	seq.s32 s7, s2  }
0x1e: {  	s7 =	smul.u32 @!p0 $0xF7A, s2;
	p2 =	seq.s32 @!p0 s5, $0x0  }
0x1f: {  	s9 =	smul.u32 $0xF7A, s1;
	s8 =	simm.s32 @!p0 $0x1BF5;
	p2 =	por !p2, p0  }
0x20: {  	[sflag:s8] =	ssyncset.s32 @!p0 $0xFFFFF086;
	s6 =	sadd.s32 @!p0 s3, s7;
	s7 =	simm.s32 @!p0 $0x108  }
0x21: {  	s3 =	sadd.s32 s3, s9;
	s6 =	sadd.s32 @!p0 $0x88, s6;
	s7 =	simm.s32 @p2 $0x1082  }
0x22: {  	[simem:s7], [sflag:s8] =	dma.local @!p0 [hbm:s6], $0xF7A  }
0x23: {  	s9 =	sor.u32 $0xD0000000, s2;
	s6 =	simm.s32 $0x108;
	_ =	swait.ge @!p0 [sflag:s8], $0x0  }
0x24: {  	s3 =	sadd.s32 $0x88, s3;
	s6 =	simm.s32 @!p1 $0x1082;
	[sflag:s4] =	ssyncset.s32 $0xFFFFF086  }
0x25: {  	[simem:s6], [sflag:s4] =	dma.local [hbm:s3], $0xF7A  }
0x26: {  	[smem:$0x3F9F] =	sst s1;
	(tag) =	ssettag s2;
	_ =	strace s9  }
0x27: {  	s1 =	sld [smem:$0x3FAF]  }
0x28: {  	s2 =	sld [smem:$0x3FB0]  }
0x29: {  	s4 =	sld [smem:$0x3FB2]  }
0x2a: {  	p0 =	seq.s32 s5, $0x0;
	s5 =	sld [smem:$0x3FB3]  }
0x2b: {  	s6 =	sld [smem:$0x3FB4]  }
0x2c: {  	s7 =	sld [smem:$0x3FB5]  }
0x2d: {  	s3 =	simm.s32 $0x108;
	s8 =	sld [smem:$0x3FB6]  }
0x2e: {  	s3 =	simm.s32 @!p0 $0x1082;
	s9 =	sld [smem:$0x3FB7]  }
0x2f: {  	lr =	sadd.s32 s0, s3;
	s0 =	sld [smem:$0x3FAE]  }
0x30: {  	s3 =	sld [smem:$0x3FB1]  }
0x31: {  	[smem:$0x3FBA] =	sst s10  }
0x32: {  	s10 =	sld [smem:$0x3FB8];
	_ =	sdelay $0x3  }
0x33: {  	p0 =	seq.s32 s10, $0x1;
	s10 =	sld [smem:$0x3FBA];
	_ =	sdelay $0x3  }
0x34: {  	[smem:$0x3FBA] =	sst s10  }
0x35: {  	s10 =	sld [smem:$0x3FB9];
	_ =	sdelay $0x3  }
0x36: {  	p1 =	seq.s32 s10, $0x1;
	s10 =	sld [smem:$0x3FBA];
	_ =	sdelay $0x3  }
0x37: {  	[smem:$0x3FBA] =	sst s10  }
0x38: {  	s10 =	sld [smem:$0x3FBB]  }
0x39: {  	_ = 	snop;
	(pc) =	sbr.ind lr, $3  }
0x3a: {  	_ = 	snop  }
0x3b: {  	_ = 	snop  }
0x3c: {  	p2 =	seq.s32 s10, $0x1;
	s10 =	sld [smem:$0x3FBA]  }
0x3d: {  	_ =	shalt  }
0x3e: {  	_ =	shalt  }
0x3f: {  	_ =	shalt  }
0x40: {  	_ =	shalt  }
0x41: {  	_ =	shalt  }
0x42: {  	_ =	shalt  }
0x43: {  	_ =	shalt  }
0x44: {  	_ =	shalt  }
0x45: {  	_ =	shalt  }
0x46: {  	_ =	shalt  }
0x47: {  	_ =	shalt  }
0x48: {  	_ =	shalt  }
0x49: {  	_ =	shalt  }
0x4a: {  	_ =	shalt  }
0x4b: {  	_ =	shalt  }
0x4c: {  	_ =	shalt  }
0x4d: {  	_ =	shalt  }
0x4e: {  	_ =	shalt  }
0x4f: {  	_ =	shalt  }
0x50: {  	_ =	shalt  }
0x51: {  	_ =	shalt  }
0x52: {  	_ =	shalt  }
0x53: {  	_ =	shalt  }
0x54: {  	_ =	shalt  }
0x55: {  	_ =	shalt  }
0x56: {  	_ =	shalt  }
0x57: {  	_ =	shalt  }
0x58: {  	_ =	shalt  }
0x59: {  	_ =	shalt  }
0x5a: {  	_ =	shalt  }
0x5b: {  	_ =	shalt  }
0x5c: {  	_ =	shalt  }
0x5d: {  	_ =	shalt  }
0x5e: {  	_ =	shalt  }
0x5f: {  	_ =	shalt  }
0x60: {  	_ =	shalt  }
0x61: {  	_ =	shalt  }
0x62: {  	_ =	shalt  }
0x63: {  	_ =	shalt  }
0x64: {  	_ =	shalt  }
0x65: {  	_ =	shalt  }
0x66: {  	_ =	shalt  }
0x67: {  	_ =	shalt  }
0x68: {  	_ =	shalt  }
0x69: {  	_ =	shalt  }
0x6a: {  	_ =	shalt  }
0x6b: {  	_ =	shalt  }
0x6c: {  	_ =	shalt  }
0x6d: {  	_ =	shalt  }
0x6e: {  	_ =	shalt  }
0x6f: {  	_ =	shalt  }
0x70: {  	_ =	shalt  }
0x71: {  	_ =	shalt  }
0x72: {  	_ =	shalt  }
0x73: {  	_ =	shalt  }
0x74: {  	_ =	shalt  }
0x75: {  	_ =	shalt  }
0x76: {  	_ =	shalt  }
0x77: {  	_ =	shalt  }
0x78: {  	_ =	shalt  }
0x79: {  	_ =	shalt  }
0x7a: {  	_ =	shalt  }
0x7b: {  	_ =	shalt  }
0x7c: {  	_ =	shalt  }
0x7d: {  	_ =	shalt  }
0x7e: {  	_ =	shalt  }
0x7f: {  	_ =	shalt  }
0x80: {  	_ =	shalt  }
0x81: {  	_ =	shalt  }
0x82: {  	_ =	shalt  }
0x83: {  	_ =	shalt  }
0x84: {  	_ =	shalt  }
0x85: {  	_ =	shalt  }
0x86: {  	_ =	shalt  }
0x87: {  	_ =	shalt  }
.Lfunc_end0:
.L_simem_size_0:
called_computation_lowered:
.L_overlay_start_0:
0x88: {  	s2 =	sld [smem:$0x3FD9]  }
0x89: {  	s3 =	sld [smem:$0x3FFE];
	_ =	sdelay $0x1  }
0x8a: {  	s1 =	srdreg.scid  }
0x8b: {  	s0 =	sand.u32 $0x1, s1  }
0x8c: {  	s16 =	sshll.u32 s0, $0xA;
	s2 =	sadd.s32 s3, s2  }
0x8d: {  	s2 =	sadd.s32 s2, s16  }
0x8e: {  	[smem:$0x3FC6] =	sst s2  }
0x8f: {  	_ = 	snop  }
0x90: {  	(tm) =	ssettm $0x1  }
0x91: {  	s17 =	sld [smem:$0x3FFB];
	_ =	sdelay $0x3  }
0x92: {  	_ =	strace s17  }
0x93: {  	s2 =	sld [smem:$0x3FFC];
	_ =	sdelay $0x3  }
0x94: {  	_ =	strace s2  }
0x95: {  	s2 =	sld [smem:$0x3FFD];
	_ =	sdelay $0x3  }
0x96: {  	_ =	strace s2  }
0x97: {  	_ =	strace $0x8FFFFFFF  }
0x98: {  	s18 =	sld [smem:$0x3FDB];
	_ =	sdelay $0x1  }
0x99: {  	s19 =	simm.s32 $_scs_section_size  }
0x9a: {  	s4 =	simm.s32 $_size__tile_overlayer_lowered;
	s5 =	simm.s32 $_tile_overlayer_lowered  }
0x9b: {  	s22 =	simm.s32 $0x1BFF;
	s21 =	sshll.u32 s5, $0x1;
	s2 =	sadd.s32 s19, s18  }
0x9c: {  	s6 =	simm.s32 $0x0;
	s20 =	sshll.u32 s4, $0x1;
	s4 =	sadd.s32 s21, s2  }
0x9d: {  	[timem:s6], [sflag:s22] =	dma.local [hbm:s4], s20  }
0x9e: {  	_ =	swait.ge [sflag:s22], s20  }
0x9f: {  	s3 =	ssub.s32 $0x0, s20;
	[sflag:s22] =	ssyncset.done $0x0  }
0xa0: {  	[sflag:s22] =	ssyncadd.s32 s3;
	_ =	sdelay $0x1  }
0xa1: {  	s23 =	simm.s32 $0x1B8B  }
0xa2: {  	_ =	swait.ge [sflag:s23], $0x1  }
0xa3: {  	[sflag:s23] =	ssyncset.done $0x0  }
0xa4: {  	s25 =	simm.s32 $0x1B8E;
	s24 =	sld [smem:$0x3FFE];
	[sflag:s23] =	ssyncadd.s32 $0xFFFFFFFF  }
0xa5: {  	s26 =	simm.s32 $execute0_lowered;
	[smem:$0x3FD2] =	sst s25  }
0xa6: {  	s4 =	sshll.u32 s26, $0x1;
	_ =	strace $0x80000046;
	[dreg:$0x1] =	wrdreg $0xFFFFFFFF  }
0xa7: {  	s28 =	simm.s32 $_size_execute0_lowered;
	s2 =	sadd.s32 s2, s4;
	[dreg:$0x0] =	wrdreg $0x0  }
0xa8: {  	s4 =	sshll.u32 s28, $0x1;
	[dreg:$0x2] =	wrdreg s2  }
0xa9: {  	[dreg:$0x3] =	wrdreg s4  }
0xaa: {  	[dreg:$0x4] =	wrdreg $0xC0  }
0xab: {  	_ =	task [dreg:s6], $0x5FFFF  }
0xac: {  	[dreg:$0x1] =	wrdreg $0xFFFFFFFF  }
0xad: {  	[dreg:$0x0] =	wrdreg $0x60  }
0xae: {  	[dreg:$0x2] =	wrdreg s24  }
0xaf: {  	[dreg:$0x3] =	wrdreg $0x9  }
0xb0: {  	_ =	task.clear_ibuf [dreg:s6], $0x4FFFF;
	_ =	strace $0x90000046  }
0xb1: {  	s29 =	simm.s32 $0x9;
	_ =	strace $0x80000048  }
0xb2: {  	_ =	swait.ge [sflag:s29], $0x1  }
0xb3: {  	[sflag:s29] =	ssyncadd.s32 $0xFFFFFFFF  }
0xb4: {  	_ =	strace $0x90000048  }
0xb5: {  	_ =	sfence  }
0xb6: {  	s30 =	sld [smem:$0x0];
	_ =	sdelay $0x2  }
0xb7: {  	s31 =	sshll.u32 s1, $0xD;
	s1 =	sshrl.u32 s1, $0x2  }
0xb8: {  	s3 =	sand.u32 $0x4000, s31;
	s1 =	sadd.s32 s1, s30  }
0xb9: {  	s0 =	sor.u32 s3, s0;
	s1 =	sshll.u32 s1, $0x11  }
0xba: {  	s0 =	sor.u32 s1, s0  }
0xbb: {  	s0 =	sadd.s32 $0x8F2B, s0  }
0xbc: {  	[sflag:s0] =	ssyncadd.remote.s32 $0x1  }
0xbd: {  	_ =	sfence.sel $0xFFFF  }
0xbe: {  	[dreg:$0x0] =	wrdreg $0xFFFFFFFF;
	(pc) =	sbr.abs _section_cstart, $3  }
0xbf: {  	[dreg:$0x1] =	wrdreg $0xFFFFFFFF  }
0xc0: {  	_ =	task.clear_ibuf [dreg:s6], $0x2FFFF;
	_ =	strace $0x9FFFFFFF  }
0xc1: {  	(tm) =	ssettm $0x7FFFFFFF  }
tec
execute0_lowered:
.L_overlay_start_1:
0x0: {  	(tag) =	ssettag $0x1  }
0x1: {  	vm0 =	vcmask $0x300  }
0x2: {  	v0 =	vimm.f32 $2.000000000e+00;
	vm1 =	vcmask $0x704;
	vm15 =	vcmask $0xB08  }
0x3: {  	vm4 =	vcmask $0xF0C;
	v1 =	vsel vm0, $0x0, v0;
	v0 =	vsel vm0, $0x3D888889, v0  }
0x4: {  	vm5 =	vcmask $0x1310;
	v1 =	vsel vm1, $0x3D888889, v1;
	v0 =	vsel vm1, $0x3E088889, v0  }
0x5: {  	vm6 =	vcmask $0x1714;
	v1 =	vsel vm15, $0x3E088889, v1;
	v0 =	vsel vm15, $0x3E4CCCCE, v0  }
0x6: {  	vm7 =	vcmask $0x1B18;
	v1 =	vsel vm4, $0x3E4CCCCE, v1;
	v0 =	vsel vm4, $0x3E888889, v0  }
0x7: {  	vm8 =	vcmask $0x1F1C;
	v1 =	vsel vm5, $0x3E888889, v1;
	v0 =	vsel vm5, $0x3EAAAAAB, v0  }
0x8: {  	vm9 =	vcmask $0x2320;
	v1 =	vsel vm6, $0x3EAAAAAB, v1;
	v0 =	vsel vm6, $0x3ECCCCCE, v0  }
0x9: {  	s4 =	rddreg [dreg:$0x0];
	vm10 =	vcmask $0x2724;
	v1 =	vsel vm7, $0x3ECCCCCE, v1;
	v0 =	vsel vm7, $0x3EEEEEF0, v0  }
0xa: {  	s0 =	rddreg [dreg:$0x1];
	s1 =	simm.s32 $0x0;
	s3 =	srdreg.scid;
	vm11 =	vcmask $0x2B28;
	v1 =	vsel vm8, $0x3EEEEEF0, v1;
	v0 =	vsel vm8, $0x3F088889, v0  }
0xb: {  	s2 =	stileid.u32;
	vm12 =	vcmask $0x2F2C;
	s9 =	simm.s32 $0x400;
	s10 =	simm.s32 $0x0;
	v1 =	vsel vm9, $0x3F088889, v1;
	v0 =	vsel vm9, $0x3F19999A, v0  }
0xc: {  	vm13 =	vcmask $0x3330;
	[smem:$0x7FF] =	sst s1;
	s3 =	sand.u32 $0x1, s3;
	s5 =	sshll.u32 s2, $0x1;
	v1 =	vsel vm10, $0x3F19999A, v1;
	v0 =	vsel vm10, $0x3F2AAAAB, v0  }
0xd: {  	_ =	strace $0x80000047;
	s5 =	sor.u32 s3, s5;
	s7 =	ssub.s32 $0x2, s3;
	v1 =	vsel vm11, $0x3F2AAAAB, v1;
	v0 =	vsel vm11, $0x3F3BBBBC, v0  }
0xe: {  	vm14 =	vcmask $0x3734;
	s6 =	sshll.u32 s5, $0x6;
	s5 =	sshll.u32 s5, $0x7;
	s8 =	sshrl.u32 s7, $0x1;
	v1 =	vsel vm12, $0x3F3BBBBC, v1;
	v0 =	vsel vm12, $0x3F4CCCCE, v0  }
0xf: {  	vm15 =	vcmask $0x3B38;
	s6 =	sadd.s32 s6, s4;
	s7 =	ssub.s32 s7, s8;
	s8 =	simm.s32 $0x200;
	v1 =	vsel vm13, $0x3F4CCCCE, v1;
	v0 =	vsel vm13, $0x3F5DDDDF, v0  }
0x10: {  	s5 =	sadd.s32 s5, s4;
	s3 =	sadd.s32 $0xE00, s6;
	s4 =	sadd.s32 $0x1600, s6;
	v1 =	vsel vm14, $0x3F5DDDDF, v1;
	v2 =	vsel vm14, $0x3F6EEEF0, v0  }
0x11: {  	s5 =	sadd.s32 $0x1E00, s5;
	s6 =	smax.u32 s7, $0x1;
	s7 =	simm.s32 $0x1;
	v0 =	vsel vm15, $0x3F6EEEF0, v1;
	v1 =	vsel vm15, $0x3F800000, v2;
	v2 =	vimm.f32 $0.0e+00  }
.LBB2_1:
0x12: {  	[tilespmem:s1], [sflag:$0x1] =	stream.linear.gather [hbm4b:s3+s1], $0x200, $0x38;
	[tilespmem:$0x800] =	vst v63  }
0x13: {  	_ =	swait.ge [sflag:s7], $0x200  }
0x14: {  	[sflag:s7] =	ssyncset.done $0x0  }
0x15: {  	[sflag:s7] =	ssyncadd.s32 $0xFFFFFE00  }
0x16: {  	[tilespmem:s8], [sflag:$0x1] =	stream.linear.gather [hbm4b:s4+s1], $0x200, $0x38;
	[tilespmem:$0x800] =	vst v63  }
0x17: {  	_ =	swait.ge [sflag:s7], $0x200  }
0x18: {  	[sflag:s7] =	ssyncset.done $0x0  }
0x19: {  	s11 =	simm.s32 $0x0;
	[sflag:s7] =	ssyncadd.s32 $0xFFFFFE00  }
0x1a: {  	v8 =	vld [tilespmem:s11+$0x0]  }
0x1b: {  	v6 =	vld [tilespmem:s11+$0x200];
	_ =	sdelay $0x3  }
0x1c: {  	v7 =	vbroadcast v8, $0x0;
	v5 =	vbroadcast v8, $0xD  }
0x1d: {  	v4 =	vbroadcast v6, $0x0;
	v9 =	vbroadcast v6, $0x7  }
0x1e: {  	v11 =	vbroadcast v8, $0x2;
	v3 =	vbroadcast v6, $0xF  }
0x1f: {  	v15 =	vbroadcast v8, $0x5;
	v20 =	vbroadcast v8, $0xC  }
0x20: {  	v31 =	vbroadcast v6, $0xC;
	v13 =	vbroadcast v8, $0x1  }
0x21: {  	v16 =	vbroadcast v6, $0x4;
	v14 =	vbroadcast v8, $0x3  }
0x22: {  	v18 =	vbroadcast v8, $0xA;
	v19 =	vbroadcast v6, $0x1  }
0x23: {  	v21 =	vbroadcast v6, $0x3;
	v23 =	vbroadcast v8, $0x9  }
0x24: {  	v25 =	vbroadcast v8, $0x6;
	v27 =	vbroadcast v8, $0x4  }
0x25: {  	v28 =	vbroadcast v8, $0xB;
	v29 =	vbroadcast v6, $0x5  }
0x26: {  	v30 =	vbroadcast v6, $0xB;
	v61 =	vbroadcast v8, $0x7  }
0x27: {  	v34 =	vbroadcast v6, $0x6;
	v37 =	vbroadcast v6, $0x8  }
0x28: {  	vm0 =	vgt.f32 v7, v0;
	vm1 =	vle.f32 v7, v1;
	vm2 =	vle.f32 v11, v1  }
0x29: {  	vm3 =	vgt.f32 v15, v0;
	vm4 =	vle.f32 v14, v1;
	vm5 =	vle.f32 v13, v1  }
0x2a: {  	vm14 =	vgt.f32 v27, v0;
	vm12 =	vle.f32 v61, v1;
	vm6 =	vle.f32 v23, v1  }
0x2b: {  	vm7 =	vgt.f32 v61, v0;
	vm8 =	vgt.f32 v18, v0;
	vm0 =	vmand vm0, vm1  }
0x2c: {  	vm13 =	vgt.f32 v23, v0;
	vm1 =	vgt.f32 v11, v0;
	v10 =	vsel vm0, $0x3F800000, v2  }
0x2d: {  	vm0 =	vle.f32 v5, v1;
	vm1 =	vmand vm1, vm2;
	vm2 =	vgt.f32 v14, v0  }
0x2e: {  	v12 =	vmul.f32 v10, v4;
	v4 =	vbroadcast v6, $0x2;
	v17 =	vsel vm1, $0x3F800000, v2  }
0x2f: {  	vm1 =	vgt.f32 v13, v0;
	vm2 =	vmand vm2, vm4;
	v32 =	vadd.f32 v10, v2  }
0x30: {  	v7 =	vmul.f32 v10, v7;
	vm4 =	vmand vm7, vm12;
	v24 =	vsel vm2, $0x3F800000, v2  }
0x31: {  	vm1 =	vmand vm1, vm5;
	vm2 =	vle.f32 v15, v1;
	v11 =	vmul.f32 v17, v11  }
0x32: {  	vm5 =	vmand vm13, vm6;
	v38 =	vsel vm4, $0x3F800000, v2;
	v22 =	vmul.f32 v17, v4  }
0x33: {  	v21 =	vmul.f32 v24, v21;
	v26 =	vsel vm1, $0x3F800000, v2;
	vm3 =	vmand vm3, vm2  }
0x34: {  	vm1 =	vgt.f32 v25, v0;
	vm2 =	vle.f32 v25, v1;
	v4 =	vbroadcast v8, $0x8  }
0x35: {  	v33 =	vmul.f32 v24, v14;
	v12 =	vadd.f32 v12, v2;
	v36 =	vadd.f32 v7, v2  }
0x36: {  	v7 =	vbroadcast v6, $0x9;
	v9 =	vmul.f32 v38, v9;
	v62 =	vsel vm5, $0x3F800000, v2  }
0x37: {  	vm15 =	vmand vm1, vm2;
	vm2 =	vle.f32 v27, v1;
	v14 =	vadd.f32 v32, v26  }
0x38: {  	v10 =	vmul.f32 v26, v19;
	v13 =	vmul.f32 v26, v13;
	v26 =	vsel vm3, $0x3F800000, v2  }
0x39: {  	vm1 =	vgt.f32 v4, v0;
	vm2 =	vmand vm14, vm2;
	v19 =	vsel vm15, $0x3F800000, v2  }
0x3a: {  	vm3 =	vle.f32 v4, v1;
	v7 =	vmul.f32 v62, v7;
	vm14 =	vle.f32 v18, v1  }
0x3b: {  	vm15 =	vle.f32 v28, v1;
	v14 =	vadd.f32 v14, v17;
	v35 =	vsel vm2, $0x3F800000, v2  }
0x3c: {  	vm2 =	vgt.f32 v28, v0;
	v34 =	vmul.f32 v19, v34;
	v10 =	vadd.f32 v12, v10  }
0x3d: {  	v17 =	vmul.f32 v19, v25;
	v25 =	vadd.f32 v36, v13;
	v13 =	vmul.f32 v62, v23  }
0x3e: {  	vm4 =	vmand vm8, vm14;
	v23 =	vmul.f32 v26, v29;
	vm1 =	vmand vm1, vm3  }
0x3f: {  	vm3 =	vle.f32 v20, v1;
	v16 =	vmul.f32 v35, v16;
	v63 =	vsel vm4, $0x3F800000, v2  }
0x40: {  	v12 =	vadd.f32 v14, v24;
	v24 =	vmul.f32 v35, v27;
	v14 =	vmul.f32 v38, v61  }
0x41: {  	v10 =	vadd.f32 v10, v22;
	v11 =	vadd.f32 v25, v11;
	v22 =	vbroadcast v6, $0xA  }
0x42: {  	vm2 =	vmand vm2, vm15;
	v25 =	vmul.f32 v26, v15;
	v15 =	vmul.f32 v63, v18  }
0x43: {  	v12 =	vadd.f32 v12, v35;
	v18 =	vadd.f32 v11, v33;
	v11 =	vmul.f32 v63, v22  }
0x44: {  	v10 =	vadd.f32 v10, v21;
	v22 =	vsel vm2, $0x3F800000, v2;
	vm2 =	vgt.f32 v5, v0  }
0x45: {  	vm0 =	vmand vm2, vm0;
	v21 =	vadd.f32 v12, v26;
	v27 =	vadd.f32 v18, v24  }
0x46: {  	v26 =	vsel vm1, $0x3F800000, v2;
	v12 =	vmul.f32 v22, v30;
	v18 =	vmul.f32 v22, v28  }
0x47: {  	v10 =	vadd.f32 v10, v16;
	v16 =	vbroadcast v6, $0xD;
	v19 =	vadd.f32 v21, v19  }
0x48: {  	vm1 =	vgt.f32 v20, v0;
	v28 =	vbroadcast v6, $0xE;
	v24 =	vmul.f32 v26, v37  }
0x49: {  	vm1 =	vmand vm1, vm3;
	v29 =	vadd.f32 v27, v25;
	v19 =	vadd.f32 v19, v38  }
0x4a: {  	v10 =	vadd.f32 v10, v23;
	v25 =	vbroadcast v8, $0xE;
	v23 =	vbroadcast v8, $0xF  }
0x4b: {  	v27 =	vsel vm0, $0x3F800000, v2;
	v30 =	vsel vm1, $0x3F800000, v2;
	v8 =	vadd.f32 v19, v26  }
0x4c: {  	v16 =	vmul.f32 v27, v16;
	v21 =	vmul.f32 v30, v20  }
0x4d: {  	v20 =	vmul.f32 v30, v31;
	v6 =	vadd.f32 v10, v34;
	v10 =	vadd.f32 v8, v62  }
0x4e: {  	vm0 =	vle.f32 v23, v1;
	vm1 =	vle.f32 v25, v1;
	vm2 =	vgt.f32 v25, v0  }
0x4f: {  	s11 =	simm.s32 $0x40;
	v19 =	vmul.f32 v27, v5;
	v8 =	vadd.f32 v6, v9;
	v6 =	vadd.f32 v10, v63  }
.LBB2_2:
0x50: {  	s12 =	sshra.s32 s11, $0x2;
	p0 =	sne.s32 s11, $0x7C0;
	s11 =	sadd.s32 $0x40, s11;
	v9 =	vadd.f32 v29, v17;
	v4 =	vmul.f32 v26, v4;
	vm3 =	vgt.f32 v23, v0  }
0x51: {  	vm1 =	vmand vm2, vm1;
	v5 =	vld [tilespmem:s12+$0x0];
	v10 =	vadd.f32 v6, v22;
	vm0 =	vmand vm3, vm0  }
0x52: {  	v6 =	vld [tilespmem:s12+$0x200];
	v9 =	vadd.f32 v9, v14;
	v14 =	vsel vm1, $0x3F800000, v2  }
0x53: {  	v22 =	vsel vm0, $0x3F800000, v2;
	v10 =	vadd.f32 v10, v30;
	v17 =	vmul.f32 v14, v28  }
0x54: {  	v24 =	vadd.f32 v8, v24;
	v25 =	vmul.f32 v14, v25;
	v4 =	vadd.f32 v9, v4  }
0x55: {  	v26 =	vmul.f32 v22, v3;
	v23 =	vmul.f32 v22, v23;
	v9 =	vadd.f32 v10, v27  }
0x56: {  	v27 =	vbroadcast v5, $0x0;
	v8 =	vbroadcast v5, $0xD;
	v4 =	vadd.f32 v4, v13  }
0x57: {  	v13 =	vbroadcast v6, $0x7;
	v3 =	vbroadcast v6, $0xF;
	v9 =	vadd.f32 v9, v14  }
0x58: {  	vm0 =	vgt.f32 v27, v0;
	vm1 =	vle.f32 v27, v1;
	v4 =	vadd.f32 v4, v15  }
0x59: {  	v10 =	vbroadcast v6, $0x0;
	vm0 =	vmand vm0, vm1;
	v14 =	vadd.f32 v9, v22  }
0x5a: {  	v28 =	vbroadcast v5, $0x2;
	v22 =	vsel vm0, $0x3F800000, v2;
	v4 =	vadd.f32 v4, v18  }
0x5b: {  	v15 =	vbroadcast v5, $0x5;
	vm0 =	vle.f32 v8, v1;
	v18 =	vmul.f32 v22, v10  }
0x5c: {  	vm2 =	vgt.f32 v28, v0;
	vm3 =	vle.f32 v28, v1;
	v9 =	vbroadcast v5, $0xC  }
0x5d: {  	v29 =	vbroadcast v6, $0x2;
	vm1 =	vgt.f32 v15, v0;
	v10 =	vbroadcast v6, $0xC  }
0x5e: {  	v7 =	vadd.f32 v24, v7;
	v30 =	vbroadcast v6, $0x4;
	vm2 =	vmand vm2, vm3  }
0x5f: {  	v24 =	vbroadcast v5, $0x1;
	v31 =	vsel vm2, $0x3F800000, v2;
	v4 =	vadd.f32 v4, v21  }
0x60: {  	v7 =	vadd.f32 v7, v11;
	v32 =	vbroadcast v5, $0xA;
	v21 =	vbroadcast v5, $0x3  }
0x61: {  	v11 =	vbroadcast v6, $0x1;
	vm2 =	vgt.f32 v24, v0;
	v4 =	vadd.f32 v4, v19  }
0x62: {  	v7 =	vadd.f32 v7, v12;
	vm3 =	vle.f32 v24, v1;
	v19 =	vmul.f32 v31, v29  }
0x63: {  	v12 =	vbroadcast v5, $0x9;
	vm4 =	vgt.f32 v21, v0;
	vm5 =	vle.f32 v21, v1  }
0x64: {  	v7 =	vadd.f32 v7, v20;
	v29 =	vbroadcast v6, $0x3;
	vm4 =	vmand vm4, vm5  }
0x65: {  	vm2 =	vmand vm2, vm3;
	vm3 =	vle.f32 v15, v1;
	v20 =	vsel vm4, $0x3F800000, v2  }
0x66: {  	v33 =	vbroadcast v5, $0x6;
	v7 =	vadd.f32 v7, v16;
	v29 =	vmul.f32 v20, v29  }
0x67: {  	v34 =	vbroadcast v5, $0x4;
	v35 =	vbroadcast v5, $0xB;
	v16 =	vsel vm2, $0x3F800000, v2  }
0x68: {  	v36 =	vbroadcast v6, $0x5;
	vm2 =	vmand vm1, vm3;
	v7 =	vadd.f32 v7, v17  }
0x69: {  	vm1 =	vgt.f32 v33, v0;
	vm3 =	vle.f32 v33, v1;
	v17 =	vadd.f32 v4, v25  }
0x6a: {  	v7 =	vadd.f32 v7, v26;
	v4 =	vbroadcast v5, $0x8;
	v25 =	vbroadcast v6, $0xB  }
0x6b: {  	v14 =	vadd.f32 v22, v14;
	vm5 =	vmand vm1, vm3;
	vm4 =	vgt.f32 v34, v0  }
0x6c: {  	vm3 =	vle.f32 v34, v1;
	v21 =	vmul.f32 v20, v21;
	v17 =	vadd.f32 v17, v23  }
0x6d: {  	v14 =	vadd.f32 v14, v16;
	v23 =	vbroadcast v5, $0x7;
	vm1 =	vgt.f32 v4, v0  }
0x6e: {  	v7 =	vadd.f32 v18, v7;
	v18 =	vbroadcast v6, $0x6;
	vm3 =	vmand vm4, vm3  }
0x6f: {  	v14 =	vadd.f32 v14, v31;
	v26 =	vsel vm3, $0x3F800000, v2;
	vm6 =	vle.f32 v23, v1  }
0x70: {  	vm7 =	vle.f32 v12, v1;
	v22 =	vmul.f32 v22, v27;
	vm3 =	vgt.f32 v35, v0  }
0x71: {  	v11 =	vmul.f32 v16, v11;
	vm4 =	vgt.f32 v32, v0;
	vm8 =	vgt.f32 v23, v0  }
0x72: {  	v27 =	vmul.f32 v31, v28;
	v28 =	vsel vm5, $0x3F800000, v2;
	vm5 =	vmand vm8, vm6  }
0x73: {  	v31 =	vbroadcast v6, $0x8;
	v22 =	vadd.f32 v22, v17;
	vm6 =	vgt.f32 v12, v0  }
0x74: {  	v16 =	vmul.f32 v16, v24;
	v37 =	vmul.f32 v28, v18;
	vm6 =	vmand vm6, vm7  }
0x75: {  	v11 =	vadd.f32 v7, v11;
	v7 =	vbroadcast v6, $0x9;
	v38 =	vsel vm5, $0x3F800000, v2  }
0x76: {  	v18 =	vadd.f32 v14, v20;
	v20 =	vmul.f32 v26, v34;
	v14 =	vmul.f32 v38, v23  }
0x77: {  	v23 =	vsel vm2, $0x3F800000, v2;
	v34 =	vmul.f32 v38, v13;
	v39 =	vsel vm6, $0x3F800000, v2  }
0x78: {  	v17 =	vmul.f32 v28, v33;
	vm2 =	vle.f32 v4, v1;
	v7 =	vmul.f32 v39, v7  }
0x79: {  	v16 =	vadd.f32 v22, v16;
	vm5 =	vle.f32 v32, v1;
	v13 =	vmul.f32 v39, v12  }
0x7a: {  	v18 =	vadd.f32 v18, v26;
	vm4 =	vmand vm4, vm5;
	v12 =	vadd.f32 v11, v19  }
0x7b: {  	vm5 =	vle.f32 v35, v1;
	v11 =	vadd.f32 v16, v27;
	v16 =	vmul.f32 v23, v36  }
0x7c: {  	v22 =	vbroadcast v6, $0xA;
	v19 =	vmul.f32 v26, v30;
	v33 =	vsel vm4, $0x3F800000, v2  }
0x7d: {  	v27 =	vmul.f32 v23, v15;
	vm1 =	vmand vm1, vm2;
	v15 =	vmul.f32 v33, v32  }
0x7e: {  	vm2 =	vmand vm3, vm5;
	v21 =	vadd.f32 v11, v21;
	v11 =	vmul.f32 v33, v22  }
0x7f: {  	v18 =	vadd.f32 v18, v23;
	v29 =	vadd.f32 v12, v29;
	v22 =	vsel vm2, $0x3F800000, v2  }
0x80: {  	v26 =	vsel vm1, $0x3F800000, v2;
	v12 =	vmul.f32 v22, v25;
	v20 =	vadd.f32 v21, v20  }
0x81: {  	v24 =	vmul.f32 v26, v31;
	v21 =	vadd.f32 v18, v28;
	v18 =	vmul.f32 v22, v35  }
0x82: {  	vm1 =	vgt.f32 v9, v0;
	vm2 =	vgt.f32 v8, v0;
	v19 =	vadd.f32 v29, v19  }
0x83: {  	vm3 =	vle.f32 v9, v1;
	v29 =	vadd.f32 v20, v27;
	v20 =	vbroadcast v6, $0xD  }
0x84: {  	vm1 =	vmand vm1, vm3;
	vm0 =	vmand vm2, vm0;
	v21 =	vadd.f32 v21, v38  }
0x85: {  	v23 =	vbroadcast v5, $0xF;
	v25 =	vbroadcast v5, $0xE;
	v16 =	vadd.f32 v19, v16  }
.Ltmp0:
0x86: {  	v28 =	vbroadcast v6, $0xE;
	v27 =	vsel vm0, $0x3F800000, v2;
	v5 =	vadd.f32 v21, v26;
	(pc) =	sbr.rel @p0 .LBB2_2-.Ltmp0, $4  }
0x87: {  	v30 =	vsel vm1, $0x3F800000, v2;
	v6 =	vadd.f32 v16, v37;
	v16 =	vmul.f32 v27, v20  }
0x88: {  	vm0 =	vle.f32 v23, v1;
	v19 =	vmul.f32 v27, v8;
	v5 =	vadd.f32 v5, v39  }
0x89: {  	vm1 =	vle.f32 v25, v1;
	v21 =	vmul.f32 v30, v9;
	v8 =	vadd.f32 v6, v34  }
0x8a: {  	vm2 =	vgt.f32 v25, v0;
	v20 =	vmul.f32 v30, v10;
	v6 =	vadd.f32 v5, v33  }
0x8b: {  	v5 =	vadd.f32 v29, v17;
	_ =	sdelay $0x1  }
0x8c: {  	v4 =	vmul.f32 v26, v4;
	v5 =	vadd.f32 v5, v14  }
0x8d: {  	v8 =	vadd.f32 v8, v24  }
0x8e: {  	v4 =	vadd.f32 v5, v4  }
0x8f: {  	v60 =	vadd.f32 v8, v7  }
0x90: {  	v4 =	vadd.f32 v4, v13  }
0x91: {  	v5 =	vadd.f32 v60, v11  }
0x92: {  	v6 =	vadd.f32 v6, v22;
	v4 =	vadd.f32 v4, v15  }
0x93: {  	v5 =	vadd.f32 v5, v12  }
0x94: {  	vm3 =	vgt.f32 v23, v0;
	v6 =	vadd.f32 v6, v30;
	v4 =	vadd.f32 v4, v18  }
0x95: {  	vm1 =	vmand vm2, vm1;
	vm0 =	vmand vm3, vm0;
	v5 =	vadd.f32 v5, v20  }
0x96: {  	v61 =	vsel vm1, $0x3F800000, v2;
	v6 =	vadd.f32 v6, v27;
	v4 =	vadd.f32 v4, v21  }
0x97: {  	[tilespmem:$0x580] =	vst v2;
	v62 =	vmul.f32 v61, v28;
	v9 =	vsel vm0, $0x3F800000, v2;
	v5 =	vadd.f32 v5, v16  }
0x98: {  	[tilespmem:$0x600] =	vst v2;
	v10 =	vmul.f32 v61, v25;
	v6 =	vadd.f32 v6, v61;
	v4 =	vadd.f32 v4, v19  }
0x99: {  	[tilespmem:$0x680] =	vst v2;
	v3 =	vmul.f32 v9, v3;
	v5 =	vadd.f32 v5, v62  }
0x9a: {  	[tilespmem:$0x700] =	vst v2;
	v63 =	vmul.f32 v9, v23;
	v6 =	vadd.f32 v6, v9;
	v4 =	vadd.f32 v4, v10  }
0x9b: {  	[tilespmem:$0x780] =	vst v2;
	v3 =	vadd.f32 v5, v3  }
0x9c: {  	s10 =	sadd.s32 $0x1, s10;
	[tilespmem:$0x400] =	vst v6;
	v4 =	vadd.f32 v4, v63  }
0x9d: {  	p0 =	sne.s32 s10, s6;
	[tilespmem:$0x480] =	vst v3  }
.Ltmp1:
0x9e: {  	[tilespmem:$0x500] =	vst v4;
	(pc) =	sbr.rel @p0 .LBB2_1-.Ltmp1, $4  }
0x9f: {  	[hbm4b:s5+s1] =	stream.linear.scatter [tilespmem:s9], [sflag:$0x1], $0x400, $0x38;
	[tilespmem:$0x800] =	vst v63  }
0xa0: {  	_ =	swait.ge [sflag:s7], $0x400  }
0xa1: {  	[sflag:s7] =	ssyncset.done $0x0  }
0xa2: {  	[sflag:s7] =	ssyncadd.s32 $0xFFFFFC00  }
0xa3: {  	_ =	sfence.sel $0x180000  }
0xa4: {  	[bflag:$0x0] =	sbarrier.arrive $0xFFFF  }
0xa5: {  	p0 =	sne.s32 s2, $0x0;
	_ =	strace $0x90000047  }
0xa6: {  	s0 =	sadd.s32 @!p0 $0x100000, s0;
	[bflag:$0x2] =	sbarrier.arrive $0xFFFF  }
0xa7: {  	[sflag:s0] =	ssyncadd.tile.s32 @!p0 $0x1;
	_ =	shalt  }
.Lfunc_end2:
_tile_overlayer_lowered:
.L_overlay_start_2:
0xa8: {  	(tag) =	ssettag $0x2  }
0xa9: {  	s0 =	rddreg [dreg:$0x0];
	s2 =	stileid.u32  }
0xaa: {  	s1 =	rddreg [dreg:$0x1];
	p0 =	sne.s32 s2, $0x0  }
0xab: {  	s3 =	rddreg [dreg:$0x2];
	[bflag:$0x3] =	sbarrier.arrive $0xFFFF;
	s2 =	simm.s32 @!p0 $0x1C01  }
0xac: {  	[timem:s3], [sflag:s2] =	dma.local @!p0 [hbm:s0], s1  }
0xad: {  	s0 =	simm.s32 @!p0 $0x1  }
0xae: {  	_ =	swait.ge @!p0 [sflag:s0], s1  }
0xaf: {  	s1 =	ssub.s32 @!p0 $0x0, s1;
	[sflag:s0] =	ssyncset.done @!p0 $0x0  }
0xb0: {  	[sflag:s0] =	ssyncadd.s32 @!p0 s1  }
0xb1: {  	[bflag:$0x3] =	sbarrier.arrive $0xFFFF  }
0xb2: {  	_ =	shalt  }

</sc_bundles>
